<compile_context>
chip_gen: v7x
topology: tpu7x:2x2x1
jax: 0.10.2.dev20260603
libtpu: 0.0.44.dev20260713+nightly
codegen_flags: <defaults>
</compile_context>

<pallas_src>
import functools

import jax
import jax.numpy as jnp
from jax import lax
from jax.experimental import pallas as pl
from jax.experimental.pallas import tpu as pltpu
from jax.experimental.pallas import tpu_sc as plsc

NC = 2
NS = 16
NW = NC * NS
L = 16
CB = 128


def _sc_mesh():
    return plsc.VectorSubcoreMesh(
        core_axis_name="c", subcore_axis_name="s", num_cores=NC, num_subcores=NS
    )


_SC_PARAMS = pltpu.CompilerParams(needs_layout_passes=False)


def _deg_kernel_body(npad, ept_pad, dst_hbm, out_hbm, dst_v, acc_v):
    c = lax.axis_index("c")
    s = lax.axis_index("s")
    wid = c * NS + s
    pltpu.sync_copy(dst_hbm.at[wid], dst_v)

    zeros = jnp.zeros((L,), jnp.float32)

    def zbody(i, _):
        acc_v[pl.ds(i * L, L)] = zeros
        return 0

    lax.fori_loop(0, npad // L, zbody, 0)

    ones = jnp.ones((L,), jnp.float32)

    def ebody(i, _):
        idx = dst_v[pl.ds(i * L, L)]
        plsc.addupdate_scatter(acc_v, [idx], ones)
        return 0

    lax.fori_loop(0, ept_pad // L, ebody, 0)
    pltpu.sync_copy(acc_v, out_hbm.at[wid])


def _mp_kernel_body(npad, dpad, n_chunks, y_hbm, srci_hbm, dsti_hbm,
                    zeros_hbm, out_hbm, srcv, dstv, buf, acc, gsem, ssem):
    c = lax.axis_index("c")
    s = lax.axis_index("s")
    wid = c * NS + s
    pltpu.sync_copy(srci_hbm.at[wid], srcv)
    pltpu.sync_copy(dsti_hbm.at[wid], dstv)

    rpt = npad // NS

    @pl.when(s == 0)
    def _():
        pltpu.sync_copy(zeros_hbm, acc)

    plsc.subcore_barrier()

    def body(j, _):
        g = pltpu.async_copy(y_hbm.at[srcv.at[j]], buf, gsem)
        g.wait()
        sc = pltpu.async_copy(buf, acc.at[dstv.at[j]], ssem, add=True)
        sc.wait()
        return 0

    lax.fori_loop(0, n_chunks, body, 0)
    plsc.subcore_barrier()
    pltpu.sync_copy(acc.at[pl.ds(s * rpt, rpt)],
                    out_hbm.at[c, pl.ds(s * rpt, rpt)])


def _s2_kernel_body(npad, ept_pad, y2_hbm, src_hbm, dst_hbm, out_hbm,
                    src_v, dst_v, y2_v, acc_v):
    c = lax.axis_index("c")
    s = lax.axis_index("s")
    wid = c * NS + s
    pltpu.sync_copy(y2_hbm, y2_v)
    pltpu.sync_copy(src_hbm.at[wid], src_v)
    pltpu.sync_copy(dst_hbm.at[wid], dst_v)

    zeros = jnp.zeros((L,), jnp.float32)

    def zbody(i, _):
        acc_v[pl.ds(i * L, L)] = zeros
        return 0

    lax.fori_loop(0, npad // L, zbody, 0)

    def ebody(i, _):
        si = src_v[pl.ds(i * L, L)]
        di = dst_v[pl.ds(i * L, L)]
        vals = plsc.load_gather(y2_v, [si])
        plsc.addupdate_scatter(acc_v, [di], vals)
        return 0

    lax.fori_loop(0, ept_pad // L, ebody, 0)
    pltpu.sync_copy(acc_v, out_hbm.at[wid])


def _k2_body(x_ref, w1_ref, degt_ref, y_ref, dinv_ref):
    deg = jnp.sum(degt_ref[...], axis=1, keepdims=True) + 1.0
    dinv = lax.rsqrt(deg)
    xw = jnp.dot(x_ref[...], w1_ref[...], preferred_element_type=jnp.float32)
    y_ref[...] = xw * dinv
    dinv_ref[...] = dinv


def _k4_body(s1_ref, y1_ref, dinv_ref, b1_ref, w2_ref, y2_ref):
    sy = s1_ref[0] + s1_ref[1] + y1_ref[...]
    h = jnp.maximum(sy * dinv_ref[...] + b1_ref[...], 0.0)
    z = jnp.dot(h, w2_ref[...], preferred_element_type=jnp.float32)
    y2_ref[...] = z * dinv_ref[...]


def _k6_body(s2t_ref, y2_ref, dinv_ref, b2_ref, out_ref):
    s2 = jnp.sum(s2t_ref[...], axis=1, keepdims=True)
    out_ref[...] = (s2 + y2_ref[...]) * dinv_ref[...] + b2_ref[...]


def kernel(x, edge_index, W1, b1, W2, b2):
    n, d_in = x.shape
    e = edge_index.shape[1]
    d_hid = W1.shape[1]
    d_out = W2.shape[1]
    f32 = jnp.float32

    npad = ((n + 1 + 127) // 128) * 128
    dpad = ((d_hid + 127) // 128) * 128
    ept = (e + NW - 1) // NW
    ept_pad = ((ept + CB - 1) // CB) * CB
    n_chunks = ept_pad // CB

    src = edge_index[0]
    dst = edge_index[1]
    pad_e = NW * ept - e
    if pad_e:
        src = jnp.concatenate([src, jnp.zeros((pad_e,), src.dtype)])
        dst = jnp.concatenate([dst, jnp.full((pad_e,), n, dst.dtype)])
    src2 = jnp.pad(src.reshape(NW, ept), ((0, 0), (0, ept_pad - ept)))
    dst2 = jnp.pad(dst.reshape(NW, ept), ((0, 0), (0, ept_pad - ept)),
                   constant_values=n)
    src3 = src2.reshape(NW, n_chunks, CB)
    dst3 = dst2.reshape(NW, n_chunks, CB)

    xp = jnp.pad(x, ((0, npad - n), (0, 0)))
    w1p = jnp.pad(W1, ((0, 0), (0, dpad - d_hid)))
    b1p = jnp.pad(b1, (0, dpad - d_hid)).reshape(1, dpad)
    w2p = jnp.pad(W2, ((0, dpad - d_hid), (0, 0)))
    b2p = b2.reshape(1, d_out)
    zeros_acc = jnp.zeros((npad, dpad), f32)

    mesh = _sc_mesh()

    deg_parts = pl.kernel(
        functools.partial(_deg_kernel_body, npad, ept_pad),
        out_type=jax.ShapeDtypeStruct((NW, npad), f32),
        mesh=mesh,
        compiler_params=_SC_PARAMS,
        scratch_types=[
            pltpu.VMEM((ept_pad,), jnp.int32),
            pltpu.VMEM((npad,), f32),
        ],
    )(dst2)

    y1p, dinv = pl.pallas_call(
        _k2_body,
        out_shape=[
            jax.ShapeDtypeStruct((npad, dpad), f32),
            jax.ShapeDtypeStruct((npad, 1), f32),
        ],
    )(xp, w1p, deg_parts.T)

    s1_parts = pl.kernel(
        functools.partial(_mp_kernel_body, npad, dpad, n_chunks),
        out_type=jax.ShapeDtypeStruct((NC, npad, dpad), f32),
        mesh=mesh,
        compiler_params=_SC_PARAMS,
        scratch_types=[
            pltpu.VMEM((n_chunks, CB), jnp.int32),
            pltpu.VMEM((n_chunks, CB), jnp.int32),
            pltpu.VMEM((CB, dpad), f32),
            pltpu.VMEM_SHARED((npad, dpad), f32),
            pltpu.SemaphoreType.DMA,
            pltpu.SemaphoreType.DMA,
        ],
    )(y1p, src3, dst3, zeros_acc)

    y2 = pl.pallas_call(
        _k4_body,
        out_shape=jax.ShapeDtypeStruct((npad, 1), f32),
    )(s1_parts, y1p, dinv, b1p, w2p)

    s2_parts = pl.kernel(
        functools.partial(_s2_kernel_body, npad, ept_pad),
        out_type=jax.ShapeDtypeStruct((NW, npad), f32),
        mesh=mesh,
        compiler_params=_SC_PARAMS,
        scratch_types=[
            pltpu.VMEM((ept_pad,), jnp.int32),
            pltpu.VMEM((ept_pad,), jnp.int32),
            pltpu.VMEM((npad,), f32),
            pltpu.VMEM((npad,), f32),
        ],
    )(y2.reshape(npad), src2, dst2)

    out = pl.pallas_call(
        _k6_body,
        out_shape=jax.ShapeDtypeStruct((npad, d_out), f32),
    )(s2_parts.T, y2, dinv, b2p)

    return out[:n]

# --- scband reference (transcript-rebuilt; emitter-appended) ---
"""Pipeline reference for scband-gcn-65231963292247 (READ-ONLY COPY).

The authoritative reference and input builder live on the scoring server;
editing this copy changes nothing except your own understanding.
"""

import jax, jax.numpy as jnp
import numpy as np

N = 10000
E = 320000
D_IN = 128
D_HID = 100
D_OUT = 1


def gcn_conv(x, edge_index, W, b):
    # Faithful PyG GCNConv: add self-loops, symmetric D^-1/2 (A+I) D^-1/2 normalization
    n = x.shape[0]
    src = edge_index[0]
    dst = edge_index[1]
    loop = jnp.arange(n, dtype=src.dtype)
    src = jnp.concatenate([src, loop])
    dst = jnp.concatenate([dst, loop])
    deg = jnp.zeros((n,), dtype=x.dtype).at[dst].add(1.0)
    deg_inv_sqrt = jnp.where(deg > 0, jax.lax.rsqrt(deg), 0.0)
    norm = deg_inv_sqrt[src] * deg_inv_sqrt[dst]
    xw = x @ W
    msg = jnp.take(xw, src, axis=0) * norm[:, None]
    out = jnp.zeros((n, W.shape[1]), dtype=x.dtype).at[dst].add(msg)
    return out + b


def setup_inputs(seed: int = 0):
    key = jax.random.key(seed)
    k1, k2, k3, k4, k5, k6 = jax.random.split(key, 6)
    x = jax.random.normal(k1, (N, D_IN), dtype=jnp.float32)
    edge_index = jax.random.randint(k2, (2, E), 0, N, dtype=jnp.int32)
    W1 = jax.random.normal(k3, (D_IN, D_HID), dtype=jnp.float32) * (1.0 / np.sqrt(D_IN))
    b1 = jnp.zeros((D_HID,), dtype=jnp.float32)
    W2 = jax.random.normal(k4, (D_HID, D_OUT), dtype=jnp.float32) * (1.0 / np.sqrt(D_HID))
    b2 = jnp.zeros((D_OUT,), dtype=jnp.float32)
    return {"x": x, "edge_index": edge_index, "W1": W1, "b1": b1, "W2": W2, "b2": b2}


def reference(x, edge_index, W1, b1, W2, b2):
    h = gcn_conv(x, edge_index, W1, b1)
    h = jax.nn.relu(h)
    out = gcn_conv(h, edge_index, W2, b2)
    return out

if __name__ == "__main__":
    import jax
    _d = setup_inputs()
    print(jax.jit(kernel)(*tuple(_d.values())))

</pallas_src>

<mosaic_0001>
#map = affine_map<(d0, d1) -> (0)>
#map1 = affine_map<(d0, d1) -> (0, 0)>
module attributes {stable_mosaic.version = 14 : i64} {
  func.func @_s2_kernel_body(%arg0: i32, %arg1: i32, %arg2: memref<10112xf32, #tpu.memory_space<hbm>>, %arg3: memref<32x10112xi32, #tpu.memory_space<hbm>>, %arg4: memref<32x10112xi32, #tpu.memory_space<hbm>>, %arg5: memref<32x10112xf32, #tpu.memory_space<hbm>>, %arg6: memref<10112xi32, #tpu.memory_space<vmem>>, %arg7: memref<10112xi32, #tpu.memory_space<vmem>>, %arg8: memref<10112xf32, #tpu.memory_space<vmem>>, %arg9: memref<10112xf32, #tpu.memory_space<vmem>>) attributes {dimension_semantics = [#tpu.dimension_semantics<core_parallel>, #tpu.dimension_semantics<subcore_parallel>], iteration_bounds = array<i64: 2, 16>, scalar_prefetch = 0 : i64, scratch_operands = 4 : i64, tpu.core_type = #tpu.core_type<sc_vector_subcore>, window_params = [{transform_indices = #map}, {transform_indices = #map1}, {transform_indices = #map1}, {transform_indices = #map1}]} {
    %mul3A = arith.constant 16 : i32
    %mul3A_0 = arith.muli %arg0, %mul3A : i32
    %add3A = arith.addi %mul3A_0, %arg1 : i32
    "tpu.region"() ({
      %run_scoped3A = tpu.sem_alloc : memref<!tpu.dma_semaphore, #tpu.memory_space<semaphore_mem>>
      tpu.enqueue_dma source(%arg2 : memref<10112xf32, #tpu.memory_space<hbm>>) target(%arg8 : memref<10112xf32, #tpu.memory_space<vmem>>) target_semaphore(%run_scoped3A : memref<!tpu.dma_semaphore, #tpu.memory_space<semaphore_mem>>)
      tpu.wait_dma2 semaphore(%run_scoped3A : memref<!tpu.dma_semaphore, #tpu.memory_space<semaphore_mem>>) src(%arg2 : memref<10112xf32, #tpu.memory_space<hbm>>) dst(%arg8 : memref<10112xf32, #tpu.memory_space<vmem>>)
      tpu.yield
    }) : () -> ()
    "tpu.region"() ({
      %run_scoped3A = tpu.sem_alloc : memref<!tpu.dma_semaphore, #tpu.memory_space<semaphore_mem>>
      %dma_start3A = arith.constant 0 : i32
      %dma_start3A_15 = tpu.memref_slice %arg3[%add3A, %dma_start3A] : memref<32x10112xi32, #tpu.memory_space<hbm>> -> memref<1x10112xi32, #tpu.memory_space<hbm>>
      %dma_start3A_16 = tpu.memref_squeeze %dma_start3A_15 : memref<1x10112xi32, #tpu.memory_space<hbm>> -> memref<10112xi32, #tpu.memory_space<hbm>>
      %dma_start3A_17 = arith.constant 0 : i32
      %dma_start3A_18 = tpu.memref_slice %arg3[%add3A, %dma_start3A_17] : memref<32x10112xi32, #tpu.memory_space<hbm>> -> memref<1x10112xi32, #tpu.memory_space<hbm>>
      %dma_start3A_19 = tpu.memref_squeeze %dma_start3A_18 : memref<1x10112xi32, #tpu.memory_space<hbm>> -> memref<10112xi32, #tpu.memory_space<hbm>>
      tpu.enqueue_dma source(%dma_start3A_19 : memref<10112xi32, #tpu.memory_space<hbm>>) target(%arg6 : memref<10112xi32, #tpu.memory_space<vmem>>) target_semaphore(%run_scoped3A : memref<!tpu.dma_semaphore, #tpu.memory_space<semaphore_mem>>)
      %dma_wait3A = arith.constant 0 : i32
      %dma_wait3A_20 = tpu.memref_slice %arg3[%add3A, %dma_wait3A] : memref<32x10112xi32, #tpu.memory_space<hbm>> -> memref<1x10112xi32, #tpu.memory_space<hbm>>
      %dma_wait3A_21 = tpu.memref_squeeze %dma_wait3A_20 : memref<1x10112xi32, #tpu.memory_space<hbm>> -> memref<10112xi32, #tpu.memory_space<hbm>>
      %dma_wait3A_22 = arith.constant 0 : i32
      %dma_wait3A_23 = tpu.memref_slice %arg3[%add3A, %dma_wait3A_22] : memref<32x10112xi32, #tpu.memory_space<hbm>> -> memref<1x10112xi32, #tpu.memory_space<hbm>>
      %dma_wait3A_24 = tpu.memref_squeeze %dma_wait3A_23 : memref<1x10112xi32, #tpu.memory_space<hbm>> -> memref<10112xi32, #tpu.memory_space<hbm>>
      tpu.wait_dma2 semaphore(%run_scoped3A : memref<!tpu.dma_semaphore, #tpu.memory_space<semaphore_mem>>) src(%dma_wait3A_24 : memref<10112xi32, #tpu.memory_space<hbm>>) dst(%arg6 : memref<10112xi32, #tpu.memory_space<vmem>>)
      tpu.yield
    }) : () -> ()
    "tpu.region"() ({
      %run_scoped3A = tpu.sem_alloc : memref<!tpu.dma_semaphore, #tpu.memory_space<semaphore_mem>>
      %dma_start3A = arith.constant 0 : i32
      %dma_start3A_15 = tpu.memref_slice %arg4[%add3A, %dma_start3A] : memref<32x10112xi32, #tpu.memory_space<hbm>> -> memref<1x10112xi32, #tpu.memory_space<hbm>>
      %dma_start3A_16 = tpu.memref_squeeze %dma_start3A_15 : memref<1x10112xi32, #tpu.memory_space<hbm>> -> memref<10112xi32, #tpu.memory_space<hbm>>
      %dma_start3A_17 = arith.constant 0 : i32
      %dma_start3A_18 = tpu.memref_slice %arg4[%add3A, %dma_start3A_17] : memref<32x10112xi32, #tpu.memory_space<hbm>> -> memref<1x10112xi32, #tpu.memory_space<hbm>>
      %dma_start3A_19 = tpu.memref_squeeze %dma_start3A_18 : memref<1x10112xi32, #tpu.memory_space<hbm>> -> memref<10112xi32, #tpu.memory_space<hbm>>
      tpu.enqueue_dma source(%dma_start3A_19 : memref<10112xi32, #tpu.memory_space<hbm>>) target(%arg7 : memref<10112xi32, #tpu.memory_space<vmem>>) target_semaphore(%run_scoped3A : memref<!tpu.dma_semaphore, #tpu.memory_space<semaphore_mem>>)
      %dma_wait3A = arith.constant 0 : i32
      %dma_wait3A_20 = tpu.memref_slice %arg4[%add3A, %dma_wait3A] : memref<32x10112xi32, #tpu.memory_space<hbm>> -> memref<1x10112xi32, #tpu.memory_space<hbm>>
      %dma_wait3A_21 = tpu.memref_squeeze %dma_wait3A_20 : memref<1x10112xi32, #tpu.memory_space<hbm>> -> memref<10112xi32, #tpu.memory_space<hbm>>
      %dma_wait3A_22 = arith.constant 0 : i32
      %dma_wait3A_23 = tpu.memref_slice %arg4[%add3A, %dma_wait3A_22] : memref<32x10112xi32, #tpu.memory_space<hbm>> -> memref<1x10112xi32, #tpu.memory_space<hbm>>
      %dma_wait3A_24 = tpu.memref_squeeze %dma_wait3A_23 : memref<1x10112xi32, #tpu.memory_space<hbm>> -> memref<10112xi32, #tpu.memory_space<hbm>>
      tpu.wait_dma2 semaphore(%run_scoped3A : memref<!tpu.dma_semaphore, #tpu.memory_space<semaphore_mem>>) src(%dma_wait3A_24 : memref<10112xi32, #tpu.memory_space<hbm>>) dst(%arg7 : memref<10112xi32, #tpu.memory_space<vmem>>)
      tpu.yield
    }) : () -> ()
    %broadcast_in_dim3A = arith.constant 0.000000e+00 : f32
    %broadcast_in_dim3A_1 = vector.broadcast %broadcast_in_dim3A : f32 to vector<16xf32>
    %scan3A = arith.constant 0 : i32
    %scan3A_2 = arith.constant 0 : i32
    %scan3A_3 = arith.constant 632 : i32
    %scan3A_4 = arith.addi %scan3A_2, %scan3A_3 : i32
    %scan3A_5 = arith.constant 1 : i32
    %scan3A_6 = scf.for %scan3A_15 = %scan3A_2 to %scan3A_4 step %scan3A_5 iter_args(%scan3A_16 = %scan3A) -> (i32)  : i32 {
      %mul3A_17 = arith.constant 16 : i32
      %mul3A_18 = arith.muli %scan3A_15, %mul3A_17 : i32
      %swap3A = arith.index_cast %mul3A_18 : i32 to index
      %swap3A_19 = tpu.vector_load %arg9[%swap3A] {strides = array<i32>} : memref<10112xf32, #tpu.memory_space<vmem>>, vector<16xf32>,
      tpu.vector_store %arg9[%swap3A], %broadcast_in_dim3A_1 {strides = array<i32>} : memref<10112xf32, #tpu.memory_space<vmem>>, vector<16xf32>,
      %scan3A_20 = arith.constant 0 : i32
      scf.yield %scan3A_20 : i32
    }
    %scan3A_7 = arith.constant 632 : i32
    %scan3A_8 = arith.constant 0 : i32
    %scan3A_9 = arith.constant 0 : i32
    %scan3A_10 = arith.constant 632 : i32
    %scan3A_11 = arith.addi %scan3A_9, %scan3A_10 : i32
    %scan3A_12 = arith.constant 1 : i32
    %scan3A_13 = scf.for %scan3A_15 = %scan3A_9 to %scan3A_11 step %scan3A_12 iter_args(%scan3A_16 = %scan3A_8) -> (i32)  : i32 {
      %mul3A_17 = arith.constant 16 : i32
      %mul3A_18 = arith.muli %scan3A_15, %mul3A_17 : i32
      %get3A = arith.index_cast %mul3A_18 : i32 to index
      %get3A_19 = tpu.vector_load %arg6[%get3A] {strides = array<i32>} : memref<10112xi32, #tpu.memory_space<vmem>>, vector<16xi32>,
      %mul3A_20 = arith.constant 16 : i32
      %mul3A_21 = arith.muli %scan3A_15, %mul3A_20 : i32
      %get3A_22 = arith.index_cast %mul3A_21 : i32 to index
      %get3A_23 = tpu.vector_load %arg7[%get3A_22] {strides = array<i32>} : memref<10112xi32, #tpu.memory_space<vmem>>, vector<16xi32>,
      %gather3A = tpu.vector_load_idx %arg8[%get3A_19] : memref<10112xf32, #tpu.memory_space<vmem>>[vector<16xi32>], vector<16xf32>,
      tpu.vector_store_idx %arg9[%get3A_23], %gather3A {add = true} : memref<10112xf32, #tpu.memory_space<vmem>>[vector<16xi32>], vector<16xf32>,
      %scan3A_24 = arith.constant 0 : i32
      scf.yield %scan3A_24 : i32
    }
    %scan3A_14 = arith.constant 632 : i32
    "tpu.region"() ({
      %run_scoped3A = tpu.sem_alloc : memref<!tpu.dma_semaphore, #tpu.memory_space<semaphore_mem>>
      %dma_start3A = arith.constant 0 : i32
      %dma_start3A_15 = tpu.memref_slice %arg5[%add3A, %dma_start3A] : memref<32x10112xf32, #tpu.memory_space<hbm>> -> memref<1x10112xf32, #tpu.memory_space<hbm>>
      %dma_start3A_16 = tpu.memref_squeeze %dma_start3A_15 : memref<1x10112xf32, #tpu.memory_space<hbm>> -> memref<10112xf32, #tpu.memory_space<hbm>>
      %dma_start3A_17 = arith.constant 0 : i32
      %dma_start3A_18 = tpu.memref_slice %arg5[%add3A, %dma_start3A_17] : memref<32x10112xf32, #tpu.memory_space<hbm>> -> memref<1x10112xf32, #tpu.memory_space<hbm>>
      %dma_start3A_19 = tpu.memref_squeeze %dma_start3A_18 : memref<1x10112xf32, #tpu.memory_space<hbm>> -> memref<10112xf32, #tpu.memory_space<hbm>>
      tpu.enqueue_dma source(%arg9 : memref<10112xf32, #tpu.memory_space<vmem>>) target(%dma_start3A_19 : memref<10112xf32, #tpu.memory_space<hbm>>) target_semaphore(%run_scoped3A : memref<!tpu.dma_semaphore, #tpu.memory_space<semaphore_mem>>)
      %dma_wait3A = arith.constant 0 : i32
      %dma_wait3A_20 = tpu.memref_slice %arg5[%add3A, %dma_wait3A] : memref<32x10112xf32, #tpu.memory_space<hbm>> -> memref<1x10112xf32, #tpu.memory_space<hbm>>
      %dma_wait3A_21 = tpu.memref_squeeze %dma_wait3A_20 : memref<1x10112xf32, #tpu.memory_space<hbm>> -> memref<10112xf32, #tpu.memory_space<hbm>>
      %dma_wait3A_22 = arith.constant 0 : i32
      %dma_wait3A_23 = tpu.memref_slice %arg5[%add3A, %dma_wait3A_22] : memref<32x10112xf32, #tpu.memory_space<hbm>> -> memref<1x10112xf32, #tpu.memory_space<hbm>>
      %dma_wait3A_24 = tpu.memref_squeeze %dma_wait3A_23 : memref<1x10112xf32, #tpu.memory_space<hbm>> -> memref<10112xf32, #tpu.memory_space<hbm>>
      tpu.wait_dma2 semaphore(%run_scoped3A : memref<!tpu.dma_semaphore, #tpu.memory_space<semaphore_mem>>) src(%arg9 : memref<10112xf32, #tpu.memory_space<vmem>>) dst(%dma_wait3A_24 : memref<10112xf32, #tpu.memory_space<hbm>>)
      tpu.yield
    }) : () -> ()
    return
  }
}

#map = affine_map<(d0, d1) -> (0, 0)>
module attributes {stable_mosaic.version = 14 : i64} {
  func.func @_deg_kernel_body(%arg0: i32, %arg1: i32, %arg2: memref<32x10112xi32, #tpu.memory_space<hbm>>, %arg3: memref<32x10112xf32, #tpu.memory_space<hbm>>, %arg4: memref<10112xi32, #tpu.memory_space<vmem>>, %arg5: memref<10112xf32, #tpu.memory_space<vmem>>) attributes {dimension_semantics = [#tpu.dimension_semantics<core_parallel>, #tpu.dimension_semantics<subcore_parallel>], iteration_bounds = array<i64: 2, 16>, scalar_prefetch = 0 : i64, scratch_operands = 2 : i64, tpu.core_type = #tpu.core_type<sc_vector_subcore>, window_params = [{transform_indices = #map}, {transform_indices = #map}]} {
    %mul3A = arith.constant 16 : i32
    %mul3A_0 = arith.muli %arg0, %mul3A : i32
    %add3A = arith.addi %mul3A_0, %arg1 : i32
    "tpu.region"() ({
      %run_scoped3A = tpu.sem_alloc : memref<!tpu.dma_semaphore, #tpu.memory_space<semaphore_mem>>
      %dma_start3A = arith.constant 0 : i32
      %dma_start3A_17 = tpu.memref_slice %arg2[%add3A, %dma_start3A] : memref<32x10112xi32, #tpu.memory_space<hbm>> -> memref<1x10112xi32, #tpu.memory_space<hbm>>
      %dma_start3A_18 = tpu.memref_squeeze %dma_start3A_17 : memref<1x10112xi32, #tpu.memory_space<hbm>> -> memref<10112xi32, #tpu.memory_space<hbm>>
      %dma_start3A_19 = arith.constant 0 : i32
      %dma_start3A_20 = tpu.memref_slice %arg2[%add3A, %dma_start3A_19] : memref<32x10112xi32, #tpu.memory_space<hbm>> -> memref<1x10112xi32, #tpu.memory_space<hbm>>
      %dma_start3A_21 = tpu.memref_squeeze %dma_start3A_20 : memref<1x10112xi32, #tpu.memory_space<hbm>> -> memref<10112xi32, #tpu.memory_space<hbm>>
      tpu.enqueue_dma source(%dma_start3A_21 : memref<10112xi32, #tpu.memory_space<hbm>>) target(%arg4 : memref<10112xi32, #tpu.memory_space<vmem>>) target_semaphore(%run_scoped3A : memref<!tpu.dma_semaphore, #tpu.memory_space<semaphore_mem>>)
      %dma_wait3A = arith.constant 0 : i32
      %dma_wait3A_22 = tpu.memref_slice %arg2[%add3A, %dma_wait3A] : memref<32x10112xi32, #tpu.memory_space<hbm>> -> memref<1x10112xi32, #tpu.memory_space<hbm>>
      %dma_wait3A_23 = tpu.memref_squeeze %dma_wait3A_22 : memref<1x10112xi32, #tpu.memory_space<hbm>> -> memref<10112xi32, #tpu.memory_space<hbm>>
      %dma_wait3A_24 = arith.constant 0 : i32
      %dma_wait3A_25 = tpu.memref_slice %arg2[%add3A, %dma_wait3A_24] : memref<32x10112xi32, #tpu.memory_space<hbm>> -> memref<1x10112xi32, #tpu.memory_space<hbm>>
      %dma_wait3A_26 = tpu.memref_squeeze %dma_wait3A_25 : memref<1x10112xi32, #tpu.memory_space<hbm>> -> memref<10112xi32, #tpu.memory_space<hbm>>
      tpu.wait_dma2 semaphore(%run_scoped3A : memref<!tpu.dma_semaphore, #tpu.memory_space<semaphore_mem>>) src(%dma_wait3A_26 : memref<10112xi32, #tpu.memory_space<hbm>>) dst(%arg4 : memref<10112xi32, #tpu.memory_space<vmem>>)
      tpu.yield
    }) : () -> ()
    %broadcast_in_dim3A = arith.constant 0.000000e+00 : f32
    %broadcast_in_dim3A_1 = vector.broadcast %broadcast_in_dim3A : f32 to vector<16xf32>
    %scan3A = arith.constant 0 : i32
    %scan3A_2 = arith.constant 0 : i32
    %scan3A_3 = arith.constant 632 : i32
    %scan3A_4 = arith.addi %scan3A_2, %scan3A_3 : i32
    %scan3A_5 = arith.constant 1 : i32
    %scan3A_6 = scf.for %scan3A_17 = %scan3A_2 to %scan3A_4 step %scan3A_5 iter_args(%scan3A_18 = %scan3A) -> (i32)  : i32 {
      %mul3A_19 = arith.constant 16 : i32
      %mul3A_20 = arith.muli %scan3A_17, %mul3A_19 : i32
      %swap3A = arith.index_cast %mul3A_20 : i32 to index
      %swap3A_21 = tpu.vector_load %arg5[%swap3A] {strides = array<i32>} : memref<10112xf32, #tpu.memory_space<vmem>>, vector<16xf32>,
      tpu.vector_store %arg5[%swap3A], %broadcast_in_dim3A_1 {strides = array<i32>} : memref<10112xf32, #tpu.memory_space<vmem>>, vector<16xf32>,
      %scan3A_22 = arith.constant 0 : i32
      scf.yield %scan3A_22 : i32
    }
    %scan3A_7 = arith.constant 632 : i32
    %broadcast_in_dim3A_8 = arith.constant 1.000000e+00 : f32
    %broadcast_in_dim3A_9 = vector.broadcast %broadcast_in_dim3A_8 : f32 to vector<16xf32>
    %scan3A_10 = arith.constant 0 : i32
    %scan3A_11 = arith.constant 0 : i32
    %scan3A_12 = arith.constant 632 : i32
    %scan3A_13 = arith.addi %scan3A_11, %scan3A_12 : i32
    %scan3A_14 = arith.constant 1 : i32
    %scan3A_15 = scf.for %scan3A_17 = %scan3A_11 to %scan3A_13 step %scan3A_14 iter_args(%scan3A_18 = %scan3A_10) -> (i32)  : i32 {
      %mul3A_19 = arith.constant 16 : i32
      %mul3A_20 = arith.muli %scan3A_17, %mul3A_19 : i32
      %get3A = arith.index_cast %mul3A_20 : i32 to index
      %get3A_21 = tpu.vector_load %arg4[%get3A] {strides = array<i32>} : memref<10112xi32, #tpu.memory_space<vmem>>, vector<16xi32>,
      tpu.vector_store_idx %arg5[%get3A_21], %broadcast_in_dim3A_9 {add = true} : memref<10112xf32, #tpu.memory_space<vmem>>[vector<16xi32>], vector<16xf32>,
      %scan3A_22 = arith.constant 0 : i32
      scf.yield %scan3A_22 : i32
    }
    %scan3A_16 = arith.constant 632 : i32
    "tpu.region"() ({
      %run_scoped3A = tpu.sem_alloc : memref<!tpu.dma_semaphore, #tpu.memory_space<semaphore_mem>>
      %dma_start3A = arith.constant 0 : i32
      %dma_start3A_17 = tpu.memref_slice %arg3[%add3A, %dma_start3A] : memref<32x10112xf32, #tpu.memory_space<hbm>> -> memref<1x10112xf32, #tpu.memory_space<hbm>>
      %dma_start3A_18 = tpu.memref_squeeze %dma_start3A_17 : memref<1x10112xf32, #tpu.memory_space<hbm>> -> memref<10112xf32, #tpu.memory_space<hbm>>
      %dma_start3A_19 = arith.constant 0 : i32
      %dma_start3A_20 = tpu.memref_slice %arg3[%add3A, %dma_start3A_19] : memref<32x10112xf32, #tpu.memory_space<hbm>> -> memref<1x10112xf32, #tpu.memory_space<hbm>>
      %dma_start3A_21 = tpu.memref_squeeze %dma_start3A_20 : memref<1x10112xf32, #tpu.memory_space<hbm>> -> memref<10112xf32, #tpu.memory_space<hbm>>
      tpu.enqueue_dma source(%arg5 : memref<10112xf32, #tpu.memory_space<vmem>>) target(%dma_start3A_21 : memref<10112xf32, #tpu.memory_space<hbm>>) target_semaphore(%run_scoped3A : memref<!tpu.dma_semaphore, #tpu.memory_space<semaphore_mem>>)
      %dma_wait3A = arith.constant 0 : i32
      %dma_wait3A_22 = tpu.memref_slice %arg3[%add3A, %dma_wait3A] : memref<32x10112xf32, #tpu.memory_space<hbm>> -> memref<1x10112xf32, #tpu.memory_space<hbm>>
      %dma_wait3A_23 = tpu.memref_squeeze %dma_wait3A_22 : memref<1x10112xf32, #tpu.memory_space<hbm>> -> memref<10112xf32, #tpu.memory_space<hbm>>
      %dma_wait3A_24 = arith.constant 0 : i32
      %dma_wait3A_25 = tpu.memref_slice %arg3[%add3A, %dma_wait3A_24] : memref<32x10112xf32, #tpu.memory_space<hbm>> -> memref<1x10112xf32, #tpu.memory_space<hbm>>
      %dma_wait3A_26 = tpu.memref_squeeze %dma_wait3A_25 : memref<1x10112xf32, #tpu.memory_space<hbm>> -> memref<10112xf32, #tpu.memory_space<hbm>>
      tpu.wait_dma2 semaphore(%run_scoped3A : memref<!tpu.dma_semaphore, #tpu.memory_space<semaphore_mem>>) src(%arg5 : memref<10112xf32, #tpu.memory_space<vmem>>) dst(%dma_wait3A_26 : memref<10112xf32, #tpu.memory_space<hbm>>)
      tpu.yield
    }) : () -> ()
    return
  }
}

#map = affine_map<(d0, d1) -> (0, 0)>
#map1 = affine_map<(d0, d1) -> (0, 0, 0)>
module attributes {stable_mosaic.version = 14 : i64} {
  func.func @_mp_kernel_body(%arg0: i32, %arg1: i32, %arg2: memref<10112x128xf32, #tpu.memory_space<hbm>>, %arg3: memref<32x79x128xi32, #tpu.memory_space<hbm>>, %arg4: memref<32x79x128xi32, #tpu.memory_space<hbm>>, %arg5: memref<10112x128xf32, #tpu.memory_space<hbm>>, %arg6: memref<2x10112x128xf32, #tpu.memory_space<hbm>>, %arg7: memref<79x128xi32, #tpu.memory_space<vmem>>, %arg8: memref<79x128xi32, #tpu.memory_space<vmem>>, %arg9: memref<128x128xf32, #tpu.memory_space<vmem>>, %arg10: memref<10112x128xf32, #tpu.memory_space<vmem_shared>>, %arg11: memref<!tpu.dma_semaphore, #tpu.memory_space<semaphore_mem>>, %arg12: memref<!tpu.dma_semaphore, #tpu.memory_space<semaphore_mem>>) attributes {dimension_semantics = [#tpu.dimension_semantics<core_parallel>, #tpu.dimension_semantics<subcore_parallel>], iteration_bounds = array<i64: 2, 16>, scalar_prefetch = 0 : i64, scratch_operands = 6 : i64, tpu.core_type = #tpu.core_type<sc_vector_subcore>, window_params = [{transform_indices = #map}, {transform_indices = #map1}, {transform_indices = #map1}, {transform_indices = #map}, {transform_indices = #map1}]} {
    %mul3A = arith.constant 16 : i32
    %mul3A_0 = arith.muli %arg0, %mul3A : i32
    %add3A = arith.addi %mul3A_0, %arg1 : i32
    "tpu.region"() ({
      %run_scoped3A = tpu.sem_alloc : memref<!tpu.dma_semaphore, #tpu.memory_space<semaphore_mem>>
      %dma_start3A = arith.constant 0 : i32
      %dma_start3A_14 = arith.constant 0 : i32
      %dma_start3A_15 = tpu.memref_slice %arg3[%add3A, %dma_start3A, %dma_start3A_14] : memref<32x79x128xi32, #tpu.memory_space<hbm>> -> memref<1x79x128xi32, #tpu.memory_space<hbm>>
      %dma_start3A_16 = tpu.memref_squeeze %dma_start3A_15 : memref<1x79x128xi32, #tpu.memory_space<hbm>> -> memref<79x128xi32, #tpu.memory_space<hbm>>
      %dma_start3A_17 = arith.constant 0 : i32
      %dma_start3A_18 = arith.constant 0 : i32
      %dma_start3A_19 = tpu.memref_slice %arg3[%add3A, %dma_start3A_17, %dma_start3A_18] : memref<32x79x128xi32, #tpu.memory_space<hbm>> -> memref<1x79x128xi32, #tpu.memory_space<hbm>>
      %dma_start3A_20 = tpu.memref_squeeze %dma_start3A_19 : memref<1x79x128xi32, #tpu.memory_space<hbm>> -> memref<79x128xi32, #tpu.memory_space<hbm>>
      tpu.enqueue_dma source(%dma_start3A_20 : memref<79x128xi32, #tpu.memory_space<hbm>>) target(%arg7 : memref<79x128xi32, #tpu.memory_space<vmem>>) target_semaphore(%run_scoped3A : memref<!tpu.dma_semaphore, #tpu.memory_space<semaphore_mem>>)
      %dma_wait3A = arith.constant 0 : i32
      %dma_wait3A_21 = arith.constant 0 : i32
      %dma_wait3A_22 = tpu.memref_slice %arg3[%add3A, %dma_wait3A, %dma_wait3A_21] : memref<32x79x128xi32, #tpu.memory_space<hbm>> -> memref<1x79x128xi32, #tpu.memory_space<hbm>>
      %dma_wait3A_23 = tpu.memref_squeeze %dma_wait3A_22 : memref<1x79x128xi32, #tpu.memory_space<hbm>> -> memref<79x128xi32, #tpu.memory_space<hbm>>
      %dma_wait3A_24 = arith.constant 0 : i32
      %dma_wait3A_25 = arith.constant 0 : i32
      %dma_wait3A_26 = tpu.memref_slice %arg3[%add3A, %dma_wait3A_24, %dma_wait3A_25] : memref<32x79x128xi32, #tpu.memory_space<hbm>> -> memref<1x79x128xi32, #tpu.memory_space<hbm>>
      %dma_wait3A_27 = tpu.memref_squeeze %dma_wait3A_26 : memref<1x79x128xi32, #tpu.memory_space<hbm>> -> memref<79x128xi32, #tpu.memory_space<hbm>>
      tpu.wait_dma2 semaphore(%run_scoped3A : memref<!tpu.dma_semaphore, #tpu.memory_space<semaphore_mem>>) src(%dma_wait3A_27 : memref<79x128xi32, #tpu.memory_space<hbm>>) dst(%arg7 : memref<79x128xi32, #tpu.memory_space<vmem>>)
      tpu.yield
    }) : () -> ()
    "tpu.region"() ({
      %run_scoped3A = tpu.sem_alloc : memref<!tpu.dma_semaphore, #tpu.memory_space<semaphore_mem>>
      %dma_start3A = arith.constant 0 : i32
      %dma_start3A_14 = arith.constant 0 : i32
      %dma_start3A_15 = tpu.memref_slice %arg4[%add3A, %dma_start3A, %dma_start3A_14] : memref<32x79x128xi32, #tpu.memory_space<hbm>> -> memref<1x79x128xi32, #tpu.memory_space<hbm>>
      %dma_start3A_16 = tpu.memref_squeeze %dma_start3A_15 : memref<1x79x128xi32, #tpu.memory_space<hbm>> -> memref<79x128xi32, #tpu.memory_space<hbm>>
      %dma_start3A_17 = arith.constant 0 : i32
      %dma_start3A_18 = arith.constant 0 : i32
      %dma_start3A_19 = tpu.memref_slice %arg4[%add3A, %dma_start3A_17, %dma_start3A_18] : memref<32x79x128xi32, #tpu.memory_space<hbm>> -> memref<1x79x128xi32, #tpu.memory_space<hbm>>
      %dma_start3A_20 = tpu.memref_squeeze %dma_start3A_19 : memref<1x79x128xi32, #tpu.memory_space<hbm>> -> memref<79x128xi32, #tpu.memory_space<hbm>>
      tpu.enqueue_dma source(%dma_start3A_20 : memref<79x128xi32, #tpu.memory_space<hbm>>) target(%arg8 : memref<79x128xi32, #tpu.memory_space<vmem>>) target_semaphore(%run_scoped3A : memref<!tpu.dma_semaphore, #tpu.memory_space<semaphore_mem>>)
      %dma_wait3A = arith.constant 0 : i32
      %dma_wait3A_21 = arith.constant 0 : i32
      %dma_wait3A_22 = tpu.memref_slice %arg4[%add3A, %dma_wait3A, %dma_wait3A_21] : memref<32x79x128xi32, #tpu.memory_space<hbm>> -> memref<1x79x128xi32, #tpu.memory_space<hbm>>
      %dma_wait3A_23 = tpu.memref_squeeze %dma_wait3A_22 : memref<1x79x128xi32, #tpu.memory_space<hbm>> -> memref<79x128xi32, #tpu.memory_space<hbm>>
      %dma_wait3A_24 = arith.constant 0 : i32
      %dma_wait3A_25 = arith.constant 0 : i32
      %dma_wait3A_26 = tpu.memref_slice %arg4[%add3A, %dma_wait3A_24, %dma_wait3A_25] : memref<32x79x128xi32, #tpu.memory_space<hbm>> -> memref<1x79x128xi32, #tpu.memory_space<hbm>>
      %dma_wait3A_27 = tpu.memref_squeeze %dma_wait3A_26 : memref<1x79x128xi32, #tpu.memory_space<hbm>> -> memref<79x128xi32, #tpu.memory_space<hbm>>
      tpu.wait_dma2 semaphore(%run_scoped3A : memref<!tpu.dma_semaphore, #tpu.memory_space<semaphore_mem>>) src(%dma_wait3A_27 : memref<79x128xi32, #tpu.memory_space<hbm>>) dst(%arg8 : memref<79x128xi32, #tpu.memory_space<vmem>>)
      tpu.yield
    }) : () -> ()
    %eq3A = arith.constant 0 : i32
    %eq3A_1 = arith.cmpi eq, %arg1, %eq3A : i32
    %convert_element_type3A = arith.extui %eq3A_1 : i1 to i32
    %cond3A = arith.constant 0 : i32
    %cond3A_2 = arith.cmpi ne, %convert_element_type3A, %cond3A : i32
    scf.if %cond3A_2 {
      "tpu.region"() ({
        %run_scoped3A = tpu.sem_alloc : memref<!tpu.dma_semaphore, #tpu.memory_space<semaphore_mem>>
        tpu.enqueue_dma source(%arg5 : memref<10112x128xf32, #tpu.memory_space<hbm>>) target(%arg10 : memref<10112x128xf32, #tpu.memory_space<vmem_shared>>) target_semaphore(%run_scoped3A : memref<!tpu.dma_semaphore, #tpu.memory_space<semaphore_mem>>)
        tpu.wait_dma2 semaphore(%run_scoped3A : memref<!tpu.dma_semaphore, #tpu.memory_space<semaphore_mem>>) src(%arg5 : memref<10112x128xf32, #tpu.memory_space<hbm>>) dst(%arg10 : memref<10112x128xf32, #tpu.memory_space<vmem_shared>>)
        tpu.yield
      }) : () -> ()
    } else {
    }
    %barrier3A = arith.constant 0 : index
    tpu.barrier barrier_id(%barrier3A)
    %scan3A = arith.constant 0 : i32
    %scan3A_3 = arith.constant 0 : i32
    %scan3A_4 = arith.constant 79 : i32
    %scan3A_5 = arith.addi %scan3A_3, %scan3A_4 : i32
    %scan3A_6 = arith.constant 1 : i32
    %scan3A_7 = scf.for %scan3A_14 = %scan3A_3 to %scan3A_5 step %scan3A_6 iter_args(%scan3A_15 = %scan3A) -> (i32)  : i32 {
      %dma_start3A = arith.constant 0 : i32
      %dma_start3A_16 = tpu.memref_slice %arg7[%scan3A_14, %dma_start3A] : memref<79x128xi32, #tpu.memory_space<vmem>> -> memref<1x128xi32, #tpu.memory_space<vmem>>
      %dma_start3A_17 = tpu.memref_squeeze %dma_start3A_16 : memref<1x128xi32, #tpu.memory_space<vmem>> -> memref<128xi32, #tpu.memory_space<vmem>>
      %dma_start3A_18 = arith.constant 0 : i32
      %dma_start3A_19 = arith.constant 0 : i32
      %dma_start3A_20 = tpu.memref_slice %arg2[%dma_start3A_18, %dma_start3A_19] : memref<10112x128xf32, #tpu.memory_space<hbm>> -> memref<10112x128xf32, #tpu.memory_space<hbm>>
      tpu.enqueue_indirect_dma source(%dma_start3A_20 : memref<10112x128xf32, #tpu.memory_space<hbm>>) target(%arg9 : memref<128x128xf32, #tpu.memory_space<vmem>>) offsets(%dma_start3A_17 : memref<128xi32, #tpu.memory_space<vmem>>) semaphore(%arg11 : memref<!tpu.dma_semaphore, #tpu.memory_space<semaphore_mem>>)
      %dma_wait3A = arith.constant 0 : i32
      %dma_wait3A_21 = tpu.memref_slice %arg7[%scan3A_14, %dma_wait3A] : memref<79x128xi32, #tpu.memory_space<vmem>> -> memref<1x128xi32, #tpu.memory_space<vmem>>
      %dma_wait3A_22 = tpu.memref_squeeze %dma_wait3A_21 : memref<1x128xi32, #tpu.memory_space<vmem>> -> memref<128xi32, #tpu.memory_space<vmem>>
      %dma_wait3A_23 = arith.constant 0 : i32
      %dma_wait3A_24 = arith.constant 0 : i32
      %dma_wait3A_25 = tpu.memref_slice %arg2[%dma_wait3A_23, %dma_wait3A_24] : memref<10112x128xf32, #tpu.memory_space<hbm>> -> memref<10112x128xf32, #tpu.memory_space<hbm>>
      tpu.wait_indirect_dma semaphore(%arg11 : memref<!tpu.dma_semaphore, #tpu.memory_space<semaphore_mem>>) src(%dma_wait3A_25 : memref<10112x128xf32, #tpu.memory_space<hbm>>) dst(%arg9 : memref<128x128xf32, #tpu.memory_space<vmem>>)
      %dma_start3A_26 = arith.constant 0 : i32
      %dma_start3A_27 = tpu.memref_slice %arg8[%scan3A_14, %dma_start3A_26] : memref<79x128xi32, #tpu.memory_space<vmem>> -> memref<1x128xi32, #tpu.memory_space<vmem>>
      %dma_start3A_28 = tpu.memref_squeeze %dma_start3A_27 : memref<1x128xi32, #tpu.memory_space<vmem>> -> memref<128xi32, #tpu.memory_space<vmem>>
      %dma_start3A_29 = arith.constant 0 : i32
      %dma_start3A_30 = arith.constant 0 : i32
      %dma_start3A_31 = tpu.memref_slice %arg10[%dma_start3A_29, %dma_start3A_30] : memref<10112x128xf32, #tpu.memory_space<vmem_shared>> -> memref<10112x128xf32, #tpu.memory_space<vmem_shared>>
      tpu.enqueue_indirect_dma source(%arg9 : memref<128x128xf32, #tpu.memory_space<vmem>>) target(%dma_start3A_31 : memref<10112x128xf32, #tpu.memory_space<vmem_shared>>) offsets(%dma_start3A_28 : memref<128xi32, #tpu.memory_space<vmem>>) semaphore(%arg12 : memref<!tpu.dma_semaphore, #tpu.memory_space<semaphore_mem>>) {add = true}
      %dma_wait3A_32 = arith.constant 0 : i32
      %dma_wait3A_33 = tpu.memref_slice %arg8[%scan3A_14, %dma_wait3A_32] : memref<79x128xi32, #tpu.memory_space<vmem>> -> memref<1x128xi32, #tpu.memory_space<vmem>>
      %dma_wait3A_34 = tpu.memref_squeeze %dma_wait3A_33 : memref<1x128xi32, #tpu.memory_space<vmem>> -> memref<128xi32, #tpu.memory_space<vmem>>
      %dma_wait3A_35 = arith.constant 0 : i32
      %dma_wait3A_36 = arith.constant 0 : i32
      %dma_wait3A_37 = tpu.memref_slice %arg10[%dma_wait3A_35, %dma_wait3A_36] : memref<10112x128xf32, #tpu.memory_space<vmem_shared>> -> memref<10112x128xf32, #tpu.memory_space<vmem_shared>>
      tpu.wait_indirect_dma semaphore(%arg12 : memref<!tpu.dma_semaphore, #tpu.memory_space<semaphore_mem>>) src(%arg9 : memref<128x128xf32, #tpu.memory_space<vmem>>) dst(%dma_wait3A_37 : memref<10112x128xf32, #tpu.memory_space<vmem_shared>>)
      %scan3A_38 = arith.constant 0 : i32
      scf.yield %scan3A_38 : i32
    }
    %scan3A_8 = arith.constant 79 : i32
    %barrier3A_9 = arith.constant 0 : index
    tpu.barrier barrier_id(%barrier3A_9)
    %mul3A_10 = arith.constant 632 : i32
    %mul3A_11 = arith.muli %arg1, %mul3A_10 : i32
    %mul3A_12 = arith.constant 632 : i32
    %mul3A_13 = arith.muli %arg1, %mul3A_12 : i32
    "tpu.region"() ({
      %run_scoped3A = tpu.sem_alloc : memref<!tpu.dma_semaphore, #tpu.memory_space<semaphore_mem>>
      %dma_start3A = arith.constant 0 : i32
      %dma_start3A_14 = tpu.memref_slice %arg6[%arg0, %mul3A_13, %dma_start3A] : memref<2x10112x128xf32, #tpu.memory_space<hbm>> -> memref<1x632x128xf32, #tpu.memory_space<hbm>>
      %dma_start3A_15 = tpu.memref_squeeze %dma_start3A_14 : memref<1x632x128xf32, #tpu.memory_space<hbm>> -> memref<632x128xf32, #tpu.memory_space<hbm>>
      %dma_start3A_16 = arith.constant 0 : i32
      %dma_start3A_17 = tpu.memref_slice %arg10[%mul3A_11, %dma_start3A_16] : memref<10112x128xf32, #tpu.memory_space<vmem_shared>> -> memref<632x128xf32, #tpu.memory_space<vmem_shared>>
      tpu.enqueue_dma source(%dma_start3A_17 : memref<632x128xf32, #tpu.memory_space<vmem_shared>>) target(%dma_start3A_15 : memref<632x128xf32, #tpu.memory_space<hbm>>) target_semaphore(%run_scoped3A : memref<!tpu.dma_semaphore, #tpu.memory_space<semaphore_mem>>)
      %dma_wait3A = arith.constant 0 : i32
      %dma_wait3A_18 = tpu.memref_slice %arg6[%arg0, %mul3A_13, %dma_wait3A] : memref<2x10112x128xf32, #tpu.memory_space<hbm>> -> memref<1x632x128xf32, #tpu.memory_space<hbm>>
      %dma_wait3A_19 = tpu.memref_squeeze %dma_wait3A_18 : memref<1x632x128xf32, #tpu.memory_space<hbm>> -> memref<632x128xf32, #tpu.memory_space<hbm>>
      %dma_wait3A_20 = arith.constant 0 : i32
      %dma_wait3A_21 = tpu.memref_slice %arg10[%mul3A_11, %dma_wait3A_20] : memref<10112x128xf32, #tpu.memory_space<vmem_shared>> -> memref<632x128xf32, #tpu.memory_space<vmem_shared>>
      tpu.wait_dma2 semaphore(%run_scoped3A : memref<!tpu.dma_semaphore, #tpu.memory_space<semaphore_mem>>) src(%dma_wait3A_21 : memref<632x128xf32, #tpu.memory_space<vmem_shared>>) dst(%dma_wait3A_19 : memref<632x128xf32, #tpu.memory_space<hbm>>)
      tpu.yield
    }) : () -> ()
    return
  }
}

module attributes {stable_mosaic.version = 14 : i64} {
  func.func @_k2_body(%arg0: memref<10112x128xf32, #tpu.memory_space<vmem>>, %arg1: memref<128x128xf32, #tpu.memory_space<vmem>>, %arg2: memref<10112x32xf32, #tpu.memory_space<vmem>>, %arg3: memref<10112x128xf32, #tpu.memory_space<vmem>>, %arg4: memref<10112x1xf32, #tpu.memory_space<vmem>>) attributes {dimension_semantics = [], scalar_prefetch = 0 : i64, scratch_operands = 0 : i64, tpu.core_type = #tpu.core_type<tc>} {
    %get3A = arith.constant 0 : index
    %get3A_0 = arith.constant 0 : index
    %get3A_1 = vector.load %arg2[%get3A, %get3A_0] : memref<10112x32xf32, #tpu.memory_space<vmem>>, vector<10112x32xf32>
    %reduce_sum3A = arith.constant dense<0.000000e+00> : vector<10112xf32>
    %reduce_sum3A_2 = vector.multi_reduction <add>, %get3A_1, %reduce_sum3A [1] : vector<10112x32xf32> to vector<10112xf32>
    %broadcast_in_dim3A = vector.shape_cast %reduce_sum3A_2 : vector<10112xf32> to vector<10112x1xf32>
    %add3A = arith.constant 1.000000e+00 : f32
    %add3A_3 = vector.broadcast %add3A : f32 to vector<10112x1xf32>
    %add3A_4 = arith.addf %broadcast_in_dim3A, %add3A_3 : vector<10112x1xf32>
    %rsqrt3A = math.rsqrt %add3A_4 : vector<10112x1xf32>
    %get3A_5 = arith.constant 0 : index
    %get3A_6 = arith.constant 0 : index
    %get3A_7 = vector.load %arg0[%get3A_5, %get3A_6] : memref<10112x128xf32, #tpu.memory_space<vmem>>, vector<10112x128xf32>
    %get3A_8 = arith.constant 0 : index
    %get3A_9 = arith.constant 0 : index
    %get3A_10 = vector.load %arg1[%get3A_8, %get3A_9] : memref<128x128xf32, #tpu.memory_space<vmem>>, vector<128x128xf32>
    %dot_general3A = arith.constant dense<0.000000e+00> : vector<10112x128xf32>
    %dot_general3A_11 = tpu.matmul %get3A_7, %get3A_10, %dot_general3A {dimension_numbers = #tpu.dot_dimension_numbers<[1], [0], [0], [1], [0, 0, 1, 1], [], []>, transpose_lhs_hint = false} : vector<10112x128xf32>, vector<128x128xf32>, vector<10112x128xf32> -> vector<10112x128xf32>
    %mul3A = vector.broadcast %rsqrt3A : vector<10112x1xf32> to vector<10112x128xf32>
    %mul3A_12 = arith.mulf %dot_general3A_11, %mul3A : vector<10112x128xf32>
    %swap3A = arith.constant 0 : index
    %swap3A_13 = arith.constant 0 : index
    %swap3A_14 = vector.load %arg3[%swap3A, %swap3A_13] : memref<10112x128xf32, #tpu.memory_space<vmem>>, vector<10112x128xf32>
    tpu.vector_store %arg3[%swap3A, %swap3A_13], %mul3A_12 {strides = array<i32>} : memref<10112x128xf32, #tpu.memory_space<vmem>>, vector<10112x128xf32>,
    %swap3A_15 = arith.constant 0 : index
    %swap3A_16 = arith.constant 0 : index
    %swap3A_17 = vector.load %arg4[%swap3A_15, %swap3A_16] : memref<10112x1xf32, #tpu.memory_space<vmem>>, vector<10112x1xf32>
    tpu.vector_store %arg4[%swap3A_15, %swap3A_16], %rsqrt3A {strides = array<i32>} : memref<10112x1xf32, #tpu.memory_space<vmem>>, vector<10112x1xf32>,
    return
  }
}

module attributes {stable_mosaic.version = 14 : i64} {
  func.func @_k4_body(%arg0: memref<2x10112x128xf32, #tpu.memory_space<vmem>>, %arg1: memref<10112x128xf32, #tpu.memory_space<vmem>>, %arg2: memref<10112x1xf32, #tpu.memory_space<vmem>>, %arg3: memref<1x128xf32, #tpu.memory_space<vmem>>, %arg4: memref<128x1xf32, #tpu.memory_space<vmem>>, %arg5: memref<10112x1xf32, #tpu.memory_space<vmem>>) attributes {dimension_semantics = [], scalar_prefetch = 0 : i64, scratch_operands = 0 : i64, tpu.core_type = #tpu.core_type<tc>} {
    %get3A = arith.constant 0 : index
    %get3A_0 = arith.constant 0 : index
    %get3A_1 = arith.constant 0 : index
    %get3A_2 = vector.load %arg0[%get3A, %get3A_0, %get3A_1] : memref<2x10112x128xf32, #tpu.memory_space<vmem>>, vector<1x10112x128xf32>
    %get3A_3 = vector.shape_cast %get3A_2 : vector<1x10112x128xf32> to vector<10112x128xf32>
    %get3A_4 = arith.constant 1 : index
    %get3A_5 = arith.constant 0 : index
    %get3A_6 = arith.constant 0 : index
    %get3A_7 = vector.load %arg0[%get3A_4, %get3A_5, %get3A_6] : memref<2x10112x128xf32, #tpu.memory_space<vmem>>, vector<1x10112x128xf32>
    %get3A_8 = vector.shape_cast %get3A_7 : vector<1x10112x128xf32> to vector<10112x128xf32>
    %add3A = arith.addf %get3A_3, %get3A_8 : vector<10112x128xf32>
    %get3A_9 = arith.constant 0 : index
    %get3A_10 = arith.constant 0 : index
    %get3A_11 = vector.load %arg1[%get3A_9, %get3A_10] : memref<10112x128xf32, #tpu.memory_space<vmem>>, vector<10112x128xf32>
    %add3A_12 = arith.addf %add3A, %get3A_11 : vector<10112x128xf32>
    %get3A_13 = arith.constant 0 : index
    %get3A_14 = arith.constant 0 : index
    %get3A_15 = vector.load %arg2[%get3A_13, %get3A_14] : memref<10112x1xf32, #tpu.memory_space<vmem>>, vector<10112x1xf32>
    %mul3A = vector.broadcast %get3A_15 : vector<10112x1xf32> to vector<10112x128xf32>
    %mul3A_16 = arith.mulf %add3A_12, %mul3A : vector<10112x128xf32>
    %get3A_17 = arith.constant 0 : index
    %get3A_18 = arith.constant 0 : index
    %get3A_19 = vector.load %arg3[%get3A_17, %get3A_18] : memref<1x128xf32, #tpu.memory_space<vmem>>, vector<1x128xf32>
    %add3A_20 = vector.broadcast %get3A_19 : vector<1x128xf32> to vector<10112x128xf32>
    %add3A_21 = arith.addf %mul3A_16, %add3A_20 : vector<10112x128xf32>
    %max3A = arith.constant 0.000000e+00 : f32
    %max3A_22 = vector.broadcast %max3A : f32 to vector<10112x128xf32>
    %max3A_23 = arith.maximumf %add3A_21, %max3A_22 : vector<10112x128xf32>
    %get3A_24 = arith.constant 0 : index
    %get3A_25 = arith.constant 0 : index
    %get3A_26 = vector.load %arg4[%get3A_24, %get3A_25] : memref<128x1xf32, #tpu.memory_space<vmem>>, vector<128x1xf32>
    %dot_general3A = arith.constant dense<0.000000e+00> : vector<10112x1xf32>
    %dot_general3A_27 = tpu.matmul %max3A_23, %get3A_26, %dot_general3A {dimension_numbers = #tpu.dot_dimension_numbers<[1], [0], [0], [1], [0, 0, 1, 1], [], []>, transpose_lhs_hint = false} : vector<10112x128xf32>, vector<128x1xf32>, vector<10112x1xf32> -> vector<10112x1xf32>
    %get3A_28 = arith.constant 0 : index
    %get3A_29 = arith.constant 0 : index
    %get3A_30 = vector.load %arg2[%get3A_28, %get3A_29] : memref<10112x1xf32, #tpu.memory_space<vmem>>, vector<10112x1xf32>
    %mul3A_31 = arith.mulf %dot_general3A_27, %get3A_30 : vector<10112x1xf32>
    %swap3A = arith.constant 0 : index
    %swap3A_32 = arith.constant 0 : index
    %swap3A_33 = vector.load %arg5[%swap3A, %swap3A_32] : memref<10112x1xf32, #tpu.memory_space<vmem>>, vector<10112x1xf32>
    tpu.vector_store %arg5[%swap3A, %swap3A_32], %mul3A_31 {strides = array<i32>} : memref<10112x1xf32, #tpu.memory_space<vmem>>, vector<10112x1xf32>,
    return
  }
}

module attributes {stable_mosaic.version = 14 : i64} {
  func.func @_k6_body(%arg0: memref<10112x32xf32, #tpu.memory_space<vmem>>, %arg1: memref<10112x1xf32, #tpu.memory_space<vmem>>, %arg2: memref<10112x1xf32, #tpu.memory_space<vmem>>, %arg3: memref<1x1xf32, #tpu.memory_space<vmem>>, %arg4: memref<10112x1xf32, #tpu.memory_space<vmem>>) attributes {dimension_semantics = [], scalar_prefetch = 0 : i64, scratch_operands = 0 : i64, tpu.core_type = #tpu.core_type<tc>} {
    %get3A = arith.constant 0 : index
    %get3A_0 = arith.constant 0 : index
    %get3A_1 = vector.load %arg0[%get3A, %get3A_0] : memref<10112x32xf32, #tpu.memory_space<vmem>>, vector<10112x32xf32>
    %reduce_sum3A = arith.constant dense<0.000000e+00> : vector<10112xf32>
    %reduce_sum3A_2 = vector.multi_reduction <add>, %get3A_1, %reduce_sum3A [1] : vector<10112x32xf32> to vector<10112xf32>
    %broadcast_in_dim3A = vector.shape_cast %reduce_sum3A_2 : vector<10112xf32> to vector<10112x1xf32>
    %get3A_3 = arith.constant 0 : index
    %get3A_4 = arith.constant 0 : index
    %get3A_5 = vector.load %arg1[%get3A_3, %get3A_4] : memref<10112x1xf32, #tpu.memory_space<vmem>>, vector<10112x1xf32>
    %add3A = arith.addf %broadcast_in_dim3A, %get3A_5 : vector<10112x1xf32>
    %get3A_6 = arith.constant 0 : index
    %get3A_7 = arith.constant 0 : index
    %get3A_8 = vector.load %arg2[%get3A_6, %get3A_7] : memref<10112x1xf32, #tpu.memory_space<vmem>>, vector<10112x1xf32>
    %mul3A = arith.mulf %add3A, %get3A_8 : vector<10112x1xf32>
    %get3A_9 = arith.constant 0 : index
    %get3A_10 = arith.constant 0 : index
    %get3A_11 = vector.load %arg3[%get3A_9, %get3A_10] : memref<1x1xf32, #tpu.memory_space<vmem>>, vector<1x1xf32>
    %add3A_12 = vector.broadcast %get3A_11 : vector<1x1xf32> to vector<10112x1xf32>
    %add3A_13 = arith.addf %mul3A, %add3A_12 : vector<10112x1xf32>
    %swap3A = arith.constant 0 : index
    %swap3A_14 = arith.constant 0 : index
    %swap3A_15 = vector.load %arg4[%swap3A, %swap3A_14] : memref<10112x1xf32, #tpu.memory_space<vmem>>, vector<10112x1xf32>
    tpu.vector_store %arg4[%swap3A, %swap3A_14], %add3A_13 {strides = array<i32>} : memref<10112x1xf32, #tpu.memory_space<vmem>>, vector<10112x1xf32>,
    return
  }
}

</mosaic_0001>

<sc_bundles>
// kernel: kernel.11.cloned.1.call-start
scs
__scs_entry_jumppad:
0x0: {  	(pc) =	sbr.rel $0x88, $3  }
0x1: {  	(tag) =	ssettag $0x0;
	lr =	simm.s32 $0x1  }
0x2: {  	[smem:$0x3F9B] =	sst lr;
	_ =	strace $0xD0000000  }
0x3: {  	_ = 	snop  }
0x4: {  	_ = 	snop  }
0x5: {  	_ = 	snop  }
0x6: {  	_ = 	snop  }
0x7: {  	_ = 	snop  }
__scs_overlays_trampoline_lowered:
0x8: {  	[smem:$0x3FAA] =	sst s0  }
0x9: {  	[smem:$0x3FAB] =	sst s1  }
0xa: {  	[smem:$0x3FAC] =	sst s2  }
0xb: {  	[smem:$0x3FAD] =	sst s3  }
0xc: {  	[smem:$0x3FAE] =	sst s4  }
0xd: {  	[smem:$0x3FAF] =	sst s5  }
0xe: {  	[smem:$0x3FB0] =	sst s6  }
0xf: {  	[smem:$0x3FB1] =	sst s7  }
0x10: {  	[smem:$0x3FB2] =	sst s8  }
0x11: {  	[smem:$0x3FB3] =	sst s9;
	s0 =	simm.s32 @!p0 $0x0  }
0x12: {  	s1 =	sld [smem:$0x3F99];
	s0 =	simm.s32 @p0 $0x1  }
0x13: {  	[smem:$0x3FB4] =	sst s0;
	s0 =	simm.s32 @!p1 $0x0  }
0x14: {  	s2 =	sld [smem:$0x3F98];
	s0 =	simm.s32 @p1 $0x1  }
0x15: {  	[smem:$0x3FB5] =	sst s0;
	s0 =	simm.s32 @!p2 $0x0  }
0x16: {  	s3 =	sld [smem:$0x3FDB];
	s0 =	simm.s32 @p2 $0x1  }
0x17: {  	s4 =	simm.s32 $0x1BF5;
	[smem:$0x3FB7] =	sst s0  }
0x18: {  	s0 =	sld [smem:$0x3F9A];
	_ =	swait.ge [sflag:s4], $0x0  }
0x19: {  	s7 =	sld [smem:$0x3F9B]  }
0x1a: {  	s8 =	sadd.s32 $0xFFFFE003, lr  }
0x1b: {  	s9 =	sadd.s32 $0xFFFFFEF7, lr;
	s5 =	simm.s32 $0xFFFFFFFF;
	p2 =	slt.u32 s8, $0xFFFFF086  }
0x1c: {  	p1 =	slt.u32 s9, $0xF7A;
	s5 =	simm.s32 @!p2 $0x0  }
0x1d: {  	s5 =	simm.s32 @p1 $0x1;
	p0 =	seq.s32 s7, s2  }
0x1e: {  	s7 =	smul.u32 @!p0 $0xF7A, s2;
	p2 =	seq.s32 @!p0 s5, $0x0  }
0x1f: {  	s9 =	smul.u32 $0xF7A, s1;
	s8 =	simm.s32 @!p0 $0x1BF5;
	p2 =	por !p2, p0  }
0x20: {  	[sflag:s8] =	ssyncset.s32 @!p0 $0xFFFFF086;
	s6 =	sadd.s32 @!p0 s3, s7;
	s7 =	simm.s32 @!p0 $0x108  }
0x21: {  	s3 =	sadd.s32 s3, s9;
	s6 =	sadd.s32 @!p0 $0x88, s6;
	s7 =	simm.s32 @p2 $0x1082  }
0x22: {  	[simem:s7], [sflag:s8] =	dma.local @!p0 [hbm:s6], $0xF7A  }
0x23: {  	s9 =	sor.u32 $0xD0000000, s2;
	s6 =	simm.s32 $0x108;
	_ =	swait.ge @!p0 [sflag:s8], $0x0  }
0x24: {  	s3 =	sadd.s32 $0x88, s3;
	s6 =	simm.s32 @!p1 $0x1082;
	[sflag:s4] =	ssyncset.s32 $0xFFFFF086  }
0x25: {  	[simem:s6], [sflag:s4] =	dma.local [hbm:s3], $0xF7A  }
0x26: {  	[smem:$0x3F9B] =	sst s1;
	(tag) =	ssettag s2;
	_ =	strace s9  }
0x27: {  	s1 =	sld [smem:$0x3FAB]  }
0x28: {  	s2 =	sld [smem:$0x3FAC]  }
0x29: {  	s4 =	sld [smem:$0x3FAE]  }
0x2a: {  	p0 =	seq.s32 s5, $0x0;
	s5 =	sld [smem:$0x3FAF]  }
0x2b: {  	s6 =	sld [smem:$0x3FB0]  }
0x2c: {  	s7 =	sld [smem:$0x3FB1]  }
0x2d: {  	s3 =	simm.s32 $0x108;
	s8 =	sld [smem:$0x3FB2]  }
0x2e: {  	s3 =	simm.s32 @!p0 $0x1082;
	s9 =	sld [smem:$0x3FB3]  }
0x2f: {  	lr =	sadd.s32 s0, s3;
	s0 =	sld [smem:$0x3FAA]  }
0x30: {  	s3 =	sld [smem:$0x3FAD]  }
0x31: {  	[smem:$0x3FB6] =	sst s10  }
0x32: {  	s10 =	sld [smem:$0x3FB4];
	_ =	sdelay $0x3  }
0x33: {  	p0 =	seq.s32 s10, $0x1;
	s10 =	sld [smem:$0x3FB6];
	_ =	sdelay $0x3  }
0x34: {  	[smem:$0x3FB6] =	sst s10  }
0x35: {  	s10 =	sld [smem:$0x3FB5];
	_ =	sdelay $0x3  }
0x36: {  	p1 =	seq.s32 s10, $0x1;
	s10 =	sld [smem:$0x3FB6];
	_ =	sdelay $0x3  }
0x37: {  	[smem:$0x3FB6] =	sst s10  }
0x38: {  	s10 =	sld [smem:$0x3FB7]  }
0x39: {  	_ = 	snop;
	(pc) =	sbr.ind lr, $3  }
0x3a: {  	_ = 	snop  }
0x3b: {  	_ = 	snop  }
0x3c: {  	p2 =	seq.s32 s10, $0x1;
	s10 =	sld [smem:$0x3FB6]  }
0x3d: {  	_ =	shalt  }
0x3e: {  	_ =	shalt  }
0x3f: {  	_ =	shalt  }
0x40: {  	_ =	shalt  }
0x41: {  	_ =	shalt  }
0x42: {  	_ =	shalt  }
0x43: {  	_ =	shalt  }
0x44: {  	_ =	shalt  }
0x45: {  	_ =	shalt  }
0x46: {  	_ =	shalt  }
0x47: {  	_ =	shalt  }
0x48: {  	_ =	shalt  }
0x49: {  	_ =	shalt  }
0x4a: {  	_ =	shalt  }
0x4b: {  	_ =	shalt  }
0x4c: {  	_ =	shalt  }
0x4d: {  	_ =	shalt  }
0x4e: {  	_ =	shalt  }
0x4f: {  	_ =	shalt  }
0x50: {  	_ =	shalt  }
0x51: {  	_ =	shalt  }
0x52: {  	_ =	shalt  }
0x53: {  	_ =	shalt  }
0x54: {  	_ =	shalt  }
0x55: {  	_ =	shalt  }
0x56: {  	_ =	shalt  }
0x57: {  	_ =	shalt  }
0x58: {  	_ =	shalt  }
0x59: {  	_ =	shalt  }
0x5a: {  	_ =	shalt  }
0x5b: {  	_ =	shalt  }
0x5c: {  	_ =	shalt  }
0x5d: {  	_ =	shalt  }
0x5e: {  	_ =	shalt  }
0x5f: {  	_ =	shalt  }
0x60: {  	_ =	shalt  }
0x61: {  	_ =	shalt  }
0x62: {  	_ =	shalt  }
0x63: {  	_ =	shalt  }
0x64: {  	_ =	shalt  }
0x65: {  	_ =	shalt  }
0x66: {  	_ =	shalt  }
0x67: {  	_ =	shalt  }
0x68: {  	_ =	shalt  }
0x69: {  	_ =	shalt  }
0x6a: {  	_ =	shalt  }
0x6b: {  	_ =	shalt  }
0x6c: {  	_ =	shalt  }
0x6d: {  	_ =	shalt  }
0x6e: {  	_ =	shalt  }
0x6f: {  	_ =	shalt  }
0x70: {  	_ =	shalt  }
0x71: {  	_ =	shalt  }
0x72: {  	_ =	shalt  }
0x73: {  	_ =	shalt  }
0x74: {  	_ =	shalt  }
0x75: {  	_ =	shalt  }
0x76: {  	_ =	shalt  }
0x77: {  	_ =	shalt  }
0x78: {  	_ =	shalt  }
0x79: {  	_ =	shalt  }
0x7a: {  	_ =	shalt  }
0x7b: {  	_ =	shalt  }
0x7c: {  	_ =	shalt  }
0x7d: {  	_ =	shalt  }
0x7e: {  	_ =	shalt  }
0x7f: {  	_ =	shalt  }
0x80: {  	_ =	shalt  }
0x81: {  	_ =	shalt  }
0x82: {  	_ =	shalt  }
0x83: {  	_ =	shalt  }
0x84: {  	_ =	shalt  }
0x85: {  	_ =	shalt  }
0x86: {  	_ =	shalt  }
0x87: {  	_ =	shalt  }
.Lfunc_end0:
.L_simem_size_0:
called_computation.1_lowered:
.L_overlay_start_0:
0x88: {  	s2 =	sld [smem:$0x3FD9]  }
0x89: {  	s3 =	sld [smem:$0x3FFE];
	_ =	sdelay $0x1  }
0x8a: {  	s1 =	srdreg.scid  }
0x8b: {  	s0 =	sand.u32 $0x1, s1  }
0x8c: {  	s16 =	sshll.u32 s0, $0xA;
	s2 =	sadd.s32 s3, s2  }
0x8d: {  	s2 =	sadd.s32 s2, s16  }
0x8e: {  	[smem:$0x3FC2] =	sst s2  }
0x8f: {  	_ = 	snop  }
0x90: {  	(tm) =	ssettm $0x1  }
0x91: {  	s17 =	sld [smem:$0x3FFB];
	_ =	sdelay $0x3  }
0x92: {  	_ =	strace s17  }
0x93: {  	s2 =	sld [smem:$0x3FFC];
	_ =	sdelay $0x3  }
0x94: {  	_ =	strace s2  }
0x95: {  	s2 =	sld [smem:$0x3FFD];
	_ =	sdelay $0x3  }
0x96: {  	_ =	strace s2  }
0x97: {  	_ =	strace $0x8FFFFFFF  }
0x98: {  	s18 =	sld [smem:$0x3FDB];
	_ =	sdelay $0x1  }
0x99: {  	s19 =	simm.s32 $_scs_section_size  }
0x9a: {  	s4 =	simm.s32 $_size__tile_overlayer_lowered;
	s5 =	simm.s32 $_tile_overlayer_lowered  }
0x9b: {  	s22 =	simm.s32 $0x1BFF;
	s21 =	sshll.u32 s5, $0x1;
	s2 =	sadd.s32 s19, s18  }
0x9c: {  	s6 =	simm.s32 $0x0;
	s20 =	sshll.u32 s4, $0x1;
	s4 =	sadd.s32 s21, s2  }
0x9d: {  	[timem:s6], [sflag:s22] =	dma.local [hbm:s4], s20  }
0x9e: {  	_ =	swait.ge [sflag:s22], s20  }
0x9f: {  	s3 =	ssub.s32 $0x0, s20;
	[sflag:s22] =	ssyncset.done $0x0  }
0xa0: {  	[sflag:s22] =	ssyncadd.s32 s3;
	_ =	sdelay $0x1  }
0xa1: {  	s23 =	simm.s32 $0x1B8B  }
0xa2: {  	_ =	swait.ge [sflag:s23], $0x1  }
0xa3: {  	[sflag:s23] =	ssyncset.done $0x0  }
0xa4: {  	s25 =	simm.s32 $0x1B8E;
	s24 =	sld [smem:$0x3FFE];
	[sflag:s23] =	ssyncadd.s32 $0xFFFFFFFF  }
0xa5: {  	s26 =	simm.s32 $execute0_lowered;
	[smem:$0x3FD2] =	sst s25  }
0xa6: {  	s4 =	sshll.u32 s26, $0x1;
	_ =	strace $0x80000049;
	[dreg:$0x1] =	wrdreg $0xFFFFFFFF  }
0xa7: {  	s28 =	simm.s32 $_size_execute0_lowered;
	s2 =	sadd.s32 s2, s4;
	[dreg:$0x0] =	wrdreg $0x0  }
0xa8: {  	s4 =	sshll.u32 s28, $0x1;
	[dreg:$0x2] =	wrdreg s2  }
0xa9: {  	[dreg:$0x3] =	wrdreg s4  }
0xaa: {  	[dreg:$0x4] =	wrdreg $0xC0  }
0xab: {  	_ =	task [dreg:s6], $0x5FFFF  }
0xac: {  	[dreg:$0x1] =	wrdreg $0xFFFFFFFF  }
0xad: {  	[dreg:$0x0] =	wrdreg $0x60  }
0xae: {  	[dreg:$0x2] =	wrdreg s24  }
0xaf: {  	[dreg:$0x3] =	wrdreg $0x90000  }
0xb0: {  	[dreg:$0x4] =	wrdreg $0x9  }
0xb1: {  	_ =	task.clear_ibuf [dreg:s6], $0x5FFFF;
	_ =	strace $0x90000049  }
0xb2: {  	s29 =	simm.s32 $0x9;
	_ =	strace $0x8000004B  }
0xb3: {  	_ =	swait.ge [sflag:s29], $0x1  }
0xb4: {  	[sflag:s29] =	ssyncadd.s32 $0xFFFFFFFF  }
0xb5: {  	_ =	strace $0x9000004B  }
0xb6: {  	_ =	sfence  }
0xb7: {  	s30 =	sld [smem:$0x0];
	_ =	sdelay $0x2  }
0xb8: {  	s31 =	sshll.u32 s1, $0xD;
	s1 =	sshrl.u32 s1, $0x2  }
0xb9: {  	s3 =	sand.u32 $0x4000, s31;
	s1 =	sadd.s32 s1, s30  }
0xba: {  	s0 =	sor.u32 s3, s0;
	s1 =	sshll.u32 s1, $0x11  }
0xbb: {  	s0 =	sor.u32 s1, s0  }
0xbc: {  	s0 =	sadd.s32 $0x8F2B, s0  }
0xbd: {  	[sflag:s0] =	ssyncadd.remote.s32 $0x1  }
0xbe: {  	_ =	sfence.sel $0xFFFF  }
0xbf: {  	[dreg:$0x0] =	wrdreg $0xFFFFFFFF;
	(pc) =	sbr.abs _section_cstart, $3  }
0xc0: {  	[dreg:$0x1] =	wrdreg $0xFFFFFFFF  }
0xc1: {  	_ =	task.clear_ibuf [dreg:s6], $0x2FFFF;
	_ =	strace $0x9FFFFFFF  }
0xc2: {  	(tm) =	ssettm $0x7FFFFFFF  }
0xc3: {  	_ =	shalt  }
tec
execute0_lowered:
.L_overlay_start_1:
0x0: {  	(tag) =	ssettag $0x1  }
0x1: {  	s0 =	srdreg.scid  }
0x2: {  	s16 =	stileid.u32;
	s5 =	rddreg [dreg:$0x0]  }
0x3: {  	s1 =	rddreg [dreg:$0x1];
	s2 =	simm.s32 $0x0;
	s12 =	simm.s32 $0x80  }
0x4: {  	s13 =	simm.s32 $0x5000;
	s14 =	simm.s32 $0x1;
	s15 =	simm.s32 $0x2  }
0x5: {  	s18 =	simm.s32 $0x0;
	s4 =	sand.u32 $0x1, s0;
	s8 =	smul.u32 $0x13C00, s16  }
0x6: {  	[smem:$0x7FF] =	sst s2;
	s3 =	sadd.s32 $0x33000, s5;
	s10 =	smul.u32 $0x4F000, s16  }
0x7: {  	p0 =	sne.s32 s16, $0x0;
	s0 =	sshll.u32 s4, $0x4;
	s7 =	smul.u32 $0x13C000, s4  }
0x8: {  	s30 =	ssub.s32 $0x2, s4;
	s4 =	sadd.s32 $0x5A800, s5;
	s11 =	sshrl.u32 @!p0 s1, $0x3  }
0x9: {  	s0 =	sor.u32 s16, s0;
	s9 =	sshrl.u32 s30, $0x1;
	s31 =	sshrl.u32 s10, $0x2  }
0xa: {  	s10 =	simm.s32 $0x2800;
	s16 =	sshll.u32 s16, $0x6;
	s6 =	smul.u32 $0x500, s0  }
0xb: {  	s0 =	rddreg [dreg:$0x2];
	_ =	strace $0x8000004A;
	s7 =	sadd.s32 s8, s7  }
0xc: {  	s8 =	ssub.s32 s30, s9;
	s17 =	sadd.s32 s31, s1;
	s9 =	simm.s32 $0x3  }
0xd: {  	s16 =	sor.u32 $0x1C03, s16;
	s7 =	sshrl.u32 s7, $0x3;
	s8 =	smax.u32 s8, $0x1  }
0xe: {  	s17 =	sshrl.u32 s17, $0x3;
	s6 =	sadd.s32 s6, s5;
	s7 =	sadd.s32 s7, s5  }
0xf: {  	s5 =	sadd.s32 $0x29000, s6;
	s6 =	sadd.s32 $0x15200, s6;
	s7 =	sadd.s32 $0x82000, s7  }
.LBB2_1:
0x10: {  	[tilespmem:s2], [sflag:$0x3] =	stream.linear.gather [hbm4b:s5+s2], $0x2780, $0x38;
	[tilespmem:$0x1CC00] =	vst v63  }
0x11: {  	_ =	swait.ge [sflag:s9], $0x2780  }
0x12: {  	[sflag:s9] =	ssyncset.done $0x0  }
0x13: {  	[sflag:s9] =	ssyncadd.s32 $0xFFFFD880  }
0x14: {  	[tilespmem:s10], [sflag:$0x3] =	stream.linear.gather [hbm4b:s6+s2], $0x2780, $0x38;
	[tilespmem:$0x1CC00] =	vst v63  }
0x15: {  	_ =	swait.ge [sflag:s9], $0x2780  }
0x16: {  	[sflag:s9] =	ssyncset.done $0x0  }
0x17: {  	s19 =	simm.s32 @!p0 $0x1C03;
	[sflag:s9] =	ssyncadd.s32 $0xFFFFD880  }
0x18: {  	[spmem:s11], [sflag:s19] =	dma.local @!p0 [hbm:s4], $0x27800  }
0x19: {  	s19 =	simm.s32 @!p0 $0x3  }
0x1a: {  	_ =	swait.ge @!p0 [sflag:s19], $0x27800  }
0x1b: {  	[sflag:s19] =	ssyncset.done @!p0 $0x0  }
0x1c: {  	[sflag:s19] =	ssyncadd.s32 @!p0 $0xFFFD8800  }
0x1d: {  	s30 =	simm.s32 $0x0;
	[bflag:$0x0] =	sbarrier.arrive $0xFFFF  }
0x1e: {  	[tilespmem:s13], [sflag:$0x1] =	stream.indirect.gather [hbm4b:s3+s12], $0x80, s30, s12, $0xb8;
	[tilespmem:$0x1CC00] =	vst v63  }
0x1f: {  	_ =	swait.ge [sflag:s14], $0x4000  }
0x20: {  	[sflag:s14] =	ssyncset.done $0x0  }
0x21: {  	s31 =	simm.s32 $0x2800;
	[sflag:s14] =	ssyncadd.s32 $0xFFFFC000  }
0x22: {  	[spmem:s1] =	stream.indirect.scatter.add.f32 [tilespmem:s13], [sflag:$0x2], $0x80, s31, s12, $0xb8;
	[tilespmem:$0x1CC00] =	vst v63  }
0x23: {  	_ =	swait.ge [sflag:s15], $0x4000  }
0x24: {  	s20 =	simm.s32 $0x400;
	s19 =	simm.s32 $0x200;
	[sflag:s15] =	ssyncset.done $0x0  }
.LBB2_2:
0x25: {  	s21 =	sshra.s32 s19, $0x2  }
0x26: {  	[sflag:s15] =	ssyncadd.s32 $0xFFFFC000;
	s19 =	smov.u32 s20;
	s22 =	sadd.s32 $0x200, s20  }
0x27: {  	[tilespmem:s13], [sflag:$0x1] =	stream.indirect.gather [hbm4b:s3+s12], $0x80, s21, s12, $0xb8;
	[tilespmem:$0x1CC00] =	vst v63  }
0x28: {  	p1 =	sne.s32 s20, $0x9C00;
	_ =	swait.ge [sflag:s14], $0x4000  }
.Ltmp0:
0x29: {  	[sflag:s14] =	ssyncset.done $0x0;
	(pc) =	sbr.rel @p1 .LBB2_2-.Ltmp0, $4  }
0x2a: {  	s20 =	sadd.s32 $0x2800, s21;
	[sflag:s14] =	ssyncadd.s32 $0xFFFFC000  }
0x2b: {  	[spmem:s1] =	stream.indirect.scatter.add.f32 [tilespmem:s13], [sflag:$0x2], $0x80, s20, s12, $0xb8;
	[tilespmem:$0x1CC00] =	vst v63  }
0x2c: {  	_ =	swait.ge [sflag:s15], $0x4000  }
0x2d: {  	s20 =	smov.u32 s22;
	[sflag:s15] =	ssyncset.done $0x0  }
0x2e: {  	s19 =	sshra.s32 s19, $0x2;
	[sflag:s15] =	ssyncadd.s32 $0xFFFFC000  }
0x2f: {  	[tilespmem:s13], [sflag:$0x1] =	stream.indirect.gather [hbm4b:s3+s12], $0x80, s19, s12, $0xb8;
	[tilespmem:$0x1CC00] =	vst v63  }
0x30: {  	_ =	swait.ge [sflag:s14], $0x4000  }
0x31: {  	[sflag:s14] =	ssyncset.done $0x0  }
0x32: {  	s19 =	sadd.s32 $0x2800, s19;
	[sflag:s14] =	ssyncadd.s32 $0xFFFFC000  }
0x33: {  	[spmem:s1] =	stream.indirect.scatter.add.f32 [tilespmem:s13], [sflag:$0x2], $0x80, s19, s12, $0xb8;
	[tilespmem:$0x1CC00] =	vst v63  }
0x34: {  	_ =	swait.ge [sflag:s15], $0x4000  }
0x35: {  	s18 =	sadd.s32 $0x1, s18;
	[sflag:s15] =	ssyncset.done $0x0  }
0x36: {  	p1 =	sne.s32 s18, s8;
	[sflag:s15] =	ssyncadd.s32 $0xFFFFC000  }
.Ltmp1:
0x37: {  	[bflag:$0x0] =	sbarrier.arrive $0xFFFF;
	(pc) =	sbr.rel @p1 .LBB2_1-.Ltmp1, $4  }
0x38: {  	[hbm:s7], [sflag:s16] =	dma.local [spmem:s17], $0x2780  }
0x39: {  	_ =	swait.ge [sflag:s9], $0x2780  }
0x3a: {  	[sflag:s9] =	ssyncset.done $0x0  }
0x3b: {  	[sflag:s9] =	ssyncadd.s32 $0xFFFFD880  }
0x3c: {  	_ =	sfence.sel $0x180000  }
0x3d: {  	[bflag:$0x0] =	sbarrier.arrive $0xFFFF  }
0x3e: {  	_ =	strace $0x9000004A  }
0x3f: {  	s0 =	sadd.s32 @!p0 $0x100000, s0;
	[bflag:$0x2] =	sbarrier.arrive $0xFFFF  }
0x40: {  	[sflag:s0] =	ssyncadd.tile.s32 @!p0 $0x1;
	_ =	shalt  }
.Lfunc_end2:
_tile_overlayer_lowered:
.L_overlay_start_2:
0x41: {  	(tag) =	ssettag $0x2  }
0x42: {  	s0 =	rddreg [dreg:$0x0];
	s2 =	stileid.u32  }
0x43: {  	s1 =	rddreg [dreg:$0x1];
	p0 =	sne.s32 s2, $0x0  }
0x44: {  	s3 =	rddreg [dreg:$0x2];
	[bflag:$0x3] =	sbarrier.arrive $0xFFFF;
	s2 =	simm.s32 @!p0 $0x1C03  }
0x45: {  	[timem:s3], [sflag:s2] =	dma.local @!p0 [hbm:s0], s1  }
0x46: {  	s0 =	simm.s32 @!p0 $0x3  }
0x47: {  	_ =	swait.ge @!p0 [sflag:s0], s1  }
0x48: {  	s1 =	ssub.s32 @!p0 $0x0, s1;
	[sflag:s0] =	ssyncset.done @!p0 $0x0  }
0x49: {  	[sflag:s0] =	ssyncadd.s32 @!p0 s1  }
0x4a: {  	[bflag:$0x3] =	sbarrier.arrive $0xFFFF  }
0x4b: {  	_ =	shalt  }

// kernel: kernel.14.cloned.1.call-start
scs
__scs_entry_jumppad:
0x0: {  	(pc) =	sbr.rel $0x88, $3  }
0x1: {  	(tag) =	ssettag $0x0;
	lr =	simm.s32 $0x1  }
0x2: {  	[smem:$0x3F9B] =	sst lr;
	_ =	strace $0xD0000000  }
0x3: {  	_ = 	snop  }
0x4: {  	_ = 	snop  }
0x5: {  	_ = 	snop  }
0x6: {  	_ = 	snop  }
0x7: {  	_ = 	snop  }
__scs_overlays_trampoline_lowered:
0x8: {  	[smem:$0x3FAA] =	sst s0  }
0x9: {  	[smem:$0x3FAB] =	sst s1  }
0xa: {  	[smem:$0x3FAC] =	sst s2  }
0xb: {  	[smem:$0x3FAD] =	sst s3  }
0xc: {  	[smem:$0x3FAE] =	sst s4  }
0xd: {  	[smem:$0x3FAF] =	sst s5  }
0xe: {  	[smem:$0x3FB0] =	sst s6  }
0xf: {  	[smem:$0x3FB1] =	sst s7  }
0x10: {  	[smem:$0x3FB2] =	sst s8  }
0x11: {  	[smem:$0x3FB3] =	sst s9;
	s0 =	simm.s32 @!p0 $0x0  }
0x12: {  	s1 =	sld [smem:$0x3F99];
	s0 =	simm.s32 @p0 $0x1  }
0x13: {  	[smem:$0x3FB4] =	sst s0;
	s0 =	simm.s32 @!p1 $0x0  }
0x14: {  	s2 =	sld [smem:$0x3F98];
	s0 =	simm.s32 @p1 $0x1  }
0x15: {  	[smem:$0x3FB5] =	sst s0;
	s0 =	simm.s32 @!p2 $0x0  }
0x16: {  	s3 =	sld [smem:$0x3FDB];
	s0 =	simm.s32 @p2 $0x1  }
0x17: {  	s4 =	simm.s32 $0x1BF5;
	[smem:$0x3FB7] =	sst s0  }
0x18: {  	s0 =	sld [smem:$0x3F9A];
	_ =	swait.ge [sflag:s4], $0x0  }
0x19: {  	s7 =	sld [smem:$0x3F9B]  }
0x1a: {  	s8 =	sadd.s32 $0xFFFFE003, lr  }
0x1b: {  	s9 =	sadd.s32 $0xFFFFFEF7, lr;
	s5 =	simm.s32 $0xFFFFFFFF;
	p2 =	slt.u32 s8, $0xFFFFF086  }
0x1c: {  	p1 =	slt.u32 s9, $0xF7A;
	s5 =	simm.s32 @!p2 $0x0  }
0x1d: {  	s5 =	simm.s32 @p1 $0x1;
	p0 =	seq.s32 s7, s2  }
0x1e: {  	s7 =	smul.u32 @!p0 $0xF7A, s2;
	p2 =	seq.s32 @!p0 s5, $0x0  }
0x1f: {  	s9 =	smul.u32 $0xF7A, s1;
	s8 =	simm.s32 @!p0 $0x1BF5;
	p2 =	por !p2, p0  }
0x20: {  	[sflag:s8] =	ssyncset.s32 @!p0 $0xFFFFF086;
	s6 =	sadd.s32 @!p0 s3, s7;
	s7 =	simm.s32 @!p0 $0x108  }
0x21: {  	s3 =	sadd.s32 s3, s9;
	s6 =	sadd.s32 @!p0 $0x88, s6;
	s7 =	simm.s32 @p2 $0x1082  }
0x22: {  	[simem:s7], [sflag:s8] =	dma.local @!p0 [hbm:s6], $0xF7A  }
0x23: {  	s9 =	sor.u32 $0xD0000000, s2;
	s6 =	simm.s32 $0x108;
	_ =	swait.ge @!p0 [sflag:s8], $0x0  }
0x24: {  	s3 =	sadd.s32 $0x88, s3;
	s6 =	simm.s32 @!p1 $0x1082;
	[sflag:s4] =	ssyncset.s32 $0xFFFFF086  }
0x25: {  	[simem:s6], [sflag:s4] =	dma.local [hbm:s3], $0xF7A  }
0x26: {  	[smem:$0x3F9B] =	sst s1;
	(tag) =	ssettag s2;
	_ =	strace s9  }
0x27: {  	s1 =	sld [smem:$0x3FAB]  }
0x28: {  	s2 =	sld [smem:$0x3FAC]  }
0x29: {  	s4 =	sld [smem:$0x3FAE]  }
0x2a: {  	p0 =	seq.s32 s5, $0x0;
	s5 =	sld [smem:$0x3FAF]  }
0x2b: {  	s6 =	sld [smem:$0x3FB0]  }
0x2c: {  	s7 =	sld [smem:$0x3FB1]  }
0x2d: {  	s3 =	simm.s32 $0x108;
	s8 =	sld [smem:$0x3FB2]  }
0x2e: {  	s3 =	simm.s32 @!p0 $0x1082;
	s9 =	sld [smem:$0x3FB3]  }
0x2f: {  	lr =	sadd.s32 s0, s3;
	s0 =	sld [smem:$0x3FAA]  }
0x30: {  	s3 =	sld [smem:$0x3FAD]  }
0x31: {  	[smem:$0x3FB6] =	sst s10  }
0x32: {  	s10 =	sld [smem:$0x3FB4];
	_ =	sdelay $0x3  }
0x33: {  	p0 =	seq.s32 s10, $0x1;
	s10 =	sld [smem:$0x3FB6];
	_ =	sdelay $0x3  }
0x34: {  	[smem:$0x3FB6] =	sst s10  }
0x35: {  	s10 =	sld [smem:$0x3FB5];
	_ =	sdelay $0x3  }
0x36: {  	p1 =	seq.s32 s10, $0x1;
	s10 =	sld [smem:$0x3FB6];
	_ =	sdelay $0x3  }
0x37: {  	[smem:$0x3FB6] =	sst s10  }
0x38: {  	s10 =	sld [smem:$0x3FB7]  }
0x39: {  	_ = 	snop;
	(pc) =	sbr.ind lr, $3  }
0x3a: {  	_ = 	snop  }
0x3b: {  	_ = 	snop  }
0x3c: {  	p2 =	seq.s32 s10, $0x1;
	s10 =	sld [smem:$0x3FB6]  }
0x3d: {  	_ =	shalt  }
0x3e: {  	_ =	shalt  }
0x3f: {  	_ =	shalt  }
0x40: {  	_ =	shalt  }
0x41: {  	_ =	shalt  }
0x42: {  	_ =	shalt  }
0x43: {  	_ =	shalt  }
0x44: {  	_ =	shalt  }
0x45: {  	_ =	shalt  }
0x46: {  	_ =	shalt  }
0x47: {  	_ =	shalt  }
0x48: {  	_ =	shalt  }
0x49: {  	_ =	shalt  }
0x4a: {  	_ =	shalt  }
0x4b: {  	_ =	shalt  }
0x4c: {  	_ =	shalt  }
0x4d: {  	_ =	shalt  }
0x4e: {  	_ =	shalt  }
0x4f: {  	_ =	shalt  }
0x50: {  	_ =	shalt  }
0x51: {  	_ =	shalt  }
0x52: {  	_ =	shalt  }
0x53: {  	_ =	shalt  }
0x54: {  	_ =	shalt  }
0x55: {  	_ =	shalt  }
0x56: {  	_ =	shalt  }
0x57: {  	_ =	shalt  }
0x58: {  	_ =	shalt  }
0x59: {  	_ =	shalt  }
0x5a: {  	_ =	shalt  }
0x5b: {  	_ =	shalt  }
0x5c: {  	_ =	shalt  }
0x5d: {  	_ =	shalt  }
0x5e: {  	_ =	shalt  }
0x5f: {  	_ =	shalt  }
0x60: {  	_ =	shalt  }
0x61: {  	_ =	shalt  }
0x62: {  	_ =	shalt  }
0x63: {  	_ =	shalt  }
0x64: {  	_ =	shalt  }
0x65: {  	_ =	shalt  }
0x66: {  	_ =	shalt  }
0x67: {  	_ =	shalt  }
0x68: {  	_ =	shalt  }
0x69: {  	_ =	shalt  }
0x6a: {  	_ =	shalt  }
0x6b: {  	_ =	shalt  }
0x6c: {  	_ =	shalt  }
0x6d: {  	_ =	shalt  }
0x6e: {  	_ =	shalt  }
0x6f: {  	_ =	shalt  }
0x70: {  	_ =	shalt  }
0x71: {  	_ =	shalt  }
0x72: {  	_ =	shalt  }
0x73: {  	_ =	shalt  }
0x74: {  	_ =	shalt  }
0x75: {  	_ =	shalt  }
0x76: {  	_ =	shalt  }
0x77: {  	_ =	shalt  }
0x78: {  	_ =	shalt  }
0x79: {  	_ =	shalt  }
0x7a: {  	_ =	shalt  }
0x7b: {  	_ =	shalt  }
0x7c: {  	_ =	shalt  }
0x7d: {  	_ =	shalt  }
0x7e: {  	_ =	shalt  }
0x7f: {  	_ =	shalt  }
0x80: {  	_ =	shalt  }
0x81: {  	_ =	shalt  }
0x82: {  	_ =	shalt  }
0x83: {  	_ =	shalt  }
0x84: {  	_ =	shalt  }
0x85: {  	_ =	shalt  }
0x86: {  	_ =	shalt  }
0x87: {  	_ =	shalt  }
.Lfunc_end0:
.L_simem_size_0:
called_computation.2_lowered:
.L_overlay_start_0:
0x88: {  	s2 =	sld [smem:$0x3FD9]  }
0x89: {  	s3 =	sld [smem:$0x3FFE];
	_ =	sdelay $0x1  }
0x8a: {  	s1 =	srdreg.scid  }
0x8b: {  	s0 =	sand.u32 $0x1, s1  }
0x8c: {  	s16 =	sshll.u32 s0, $0xA;
	s2 =	sadd.s32 s3, s2  }
0x8d: {  	s2 =	sadd.s32 s2, s16  }
0x8e: {  	[smem:$0x3FC2] =	sst s2  }
0x8f: {  	_ = 	snop  }
0x90: {  	(tm) =	ssettm $0x1  }
0x91: {  	s17 =	sld [smem:$0x3FFB];
	_ =	sdelay $0x3  }
0x92: {  	_ =	strace s17  }
0x93: {  	s2 =	sld [smem:$0x3FFC];
	_ =	sdelay $0x3  }
0x94: {  	_ =	strace s2  }
0x95: {  	s2 =	sld [smem:$0x3FFD];
	_ =	sdelay $0x3  }
0x96: {  	_ =	strace s2  }
0x97: {  	_ =	strace $0x8FFFFFFF  }
0x98: {  	s18 =	sld [smem:$0x3FDB];
	_ =	sdelay $0x1  }
0x99: {  	s19 =	simm.s32 $_scs_section_size  }
0x9a: {  	s4 =	simm.s32 $_size__tile_overlayer_lowered;
	s5 =	simm.s32 $_tile_overlayer_lowered  }
0x9b: {  	s22 =	simm.s32 $0x1BFF;
	s21 =	sshll.u32 s5, $0x1;
	s2 =	sadd.s32 s19, s18  }
0x9c: {  	s6 =	simm.s32 $0x0;
	s20 =	sshll.u32 s4, $0x1;
	s4 =	sadd.s32 s21, s2  }
0x9d: {  	[timem:s6], [sflag:s22] =	dma.local [hbm:s4], s20  }
0x9e: {  	_ =	swait.ge [sflag:s22], s20  }
0x9f: {  	s3 =	ssub.s32 $0x0, s20;
	[sflag:s22] =	ssyncset.done $0x0  }
0xa0: {  	[sflag:s22] =	ssyncadd.s32 s3;
	_ =	sdelay $0x1  }
0xa1: {  	s23 =	simm.s32 $0x1B8B  }
0xa2: {  	_ =	swait.ge [sflag:s23], $0x1  }
0xa3: {  	[sflag:s23] =	ssyncset.done $0x0  }
0xa4: {  	s25 =	simm.s32 $0x1B8E;
	s24 =	sld [smem:$0x3FFE];
	[sflag:s23] =	ssyncadd.s32 $0xFFFFFFFF  }
0xa5: {  	s26 =	simm.s32 $execute0_lowered;
	[smem:$0x3FD2] =	sst s25  }
0xa6: {  	s4 =	sshll.u32 s26, $0x1;
	_ =	strace $0x8000004C;
	[dreg:$0x1] =	wrdreg $0xFFFFFFFF  }
0xa7: {  	s28 =	simm.s32 $_size_execute0_lowered;
	s2 =	sadd.s32 s2, s4;
	[dreg:$0x0] =	wrdreg $0x0  }
0xa8: {  	s4 =	sshll.u32 s28, $0x1;
	[dreg:$0x2] =	wrdreg s2  }
0xa9: {  	[dreg:$0x3] =	wrdreg s4  }
0xaa: {  	[dreg:$0x4] =	wrdreg $0xC0  }
0xab: {  	_ =	task [dreg:s6], $0x5FFFF  }
0xac: {  	[dreg:$0x1] =	wrdreg $0xFFFFFFFF  }
0xad: {  	[dreg:$0x0] =	wrdreg $0x60  }
0xae: {  	[dreg:$0x2] =	wrdreg s24  }
0xaf: {  	[dreg:$0x3] =	wrdreg $0x9  }
0xb0: {  	_ =	task.clear_ibuf [dreg:s6], $0x4FFFF;
	_ =	strace $0x9000004C  }
0xb1: {  	s29 =	simm.s32 $0x9;
	_ =	strace $0x8000004E  }
0xb2: {  	_ =	swait.ge [sflag:s29], $0x1  }
0xb3: {  	[sflag:s29] =	ssyncadd.s32 $0xFFFFFFFF  }
0xb4: {  	_ =	strace $0x9000004E  }
0xb5: {  	_ =	sfence  }
0xb6: {  	s30 =	sld [smem:$0x0];
	_ =	sdelay $0x2  }
0xb7: {  	s31 =	sshll.u32 s1, $0xD;
	s1 =	sshrl.u32 s1, $0x2  }
0xb8: {  	s3 =	sand.u32 $0x4000, s31;
	s1 =	sadd.s32 s1, s30  }
0xb9: {  	s0 =	sor.u32 s3, s0;
	s1 =	sshll.u32 s1, $0x11  }
0xba: {  	s0 =	sor.u32 s1, s0  }
0xbb: {  	s0 =	sadd.s32 $0x8F2B, s0  }
0xbc: {  	[sflag:s0] =	ssyncadd.remote.s32 $0x1  }
0xbd: {  	_ =	sfence.sel $0xFFFF  }
0xbe: {  	[dreg:$0x0] =	wrdreg $0xFFFFFFFF;
	(pc) =	sbr.abs _section_cstart, $3  }
0xbf: {  	[dreg:$0x1] =	wrdreg $0xFFFFFFFF  }
0xc0: {  	_ =	task.clear_ibuf [dreg:s6], $0x2FFFF;
	_ =	strace $0x9FFFFFFF  }
0xc1: {  	(tm) =	ssettm $0x7FFFFFFF  }
tec
execute0_lowered:
.L_overlay_start_1:
0x0: {  	(tag) =	ssettag $0x1  }
0x1: {  	s0 =	srdreg.scid  }
0x2: {  	s3 =	sand.u32 $0x1, s0  }
0x3: {  	s4 =	rddreg [dreg:$0x0];
	s0 =	stileid.u32;
	s1 =	sshll.u32 s3, $0x4  }
0x4: {  	s2 =	simm.s32 $0x0;
	s9 =	simm.s32 $0x1;
	s1 =	sor.u32 s0, s1  }
0x5: {  	s10 =	simm.s32 $0x80;
	s11 =	simm.s32 $0x400;
	s1 =	sshrl.u32 s1, $0x3  }
0x6: {  	s12 =	simm.s32 $0x2780;
	s6 =	sshll.u32 s0, $0x7;
	s5 =	smul.u32 $0x13C00, s1  }
0x7: {  	s13 =	simm.s32 $0x7680;
	s14 =	simm.s32 $0x0;
	s6 =	sand.u32 $0x380, s6  }
0x8: {  	[smem:$0x7FF] =	sst s2;
	s30 =	ssub.s32 $0x2, s3;
	s5 =	sor.u32 s6, s5  }
0x9: {  	s3 =	sadd.s32 $0xB400, s4;
	s31 =	sshrl.u32 s30, $0x1;
	s5 =	sshrl.u32 s5, $0x3  }
0xa: {  	s8 =	ssub.s32 s30, s31;
	s1 =	rddreg [dreg:$0x1];
	s7 =	sadd.s32 s5, s4  }
0xb: {  	_ =	strace $0x8000004D;
	s4 =	sadd.s32 $0x1F200, s7;
	s5 =	sadd.s32 $0x1600, s7  }
0xc: {  	v0 =	vimm.f32 $0.0e+00;
	s6 =	sadd.s32 $0xBA00, s7;
	s7 =	smax.u32 s8, $0x1;
	s8 =	simm.s32 $0x4F00  }
.LBB2_1:
0xd: {  	[tilespmem:s8], [sflag:$0x1] =	stream.linear.gather [hbm4b:s3+s2], $0x2780, $0x38;
	[tilespmem:$0x9E00] =	vst v63  }
0xe: {  	_ =	swait.ge [sflag:s9], $0x2780  }
0xf: {  	[sflag:s9] =	ssyncset.done $0x0  }
0x10: {  	[sflag:s9] =	ssyncadd.s32 $0xFFFFD880  }
0x11: {  	[tilespmem:s2], [sflag:$0x1] =	stream.strided.gather [hbm4b:s4+s10], $0x2780, s11, s10, $0x38;
	[tilespmem:$0x9E00] =	vst v63  }
0x12: {  	_ =	swait.ge [sflag:s9], $0x2780  }
0x13: {  	[sflag:s9] =	ssyncset.done $0x0  }
0x14: {  	[sflag:s9] =	ssyncadd.s32 $0xFFFFD880  }
0x15: {  	[tilespmem:s12], [sflag:$0x1] =	stream.strided.gather [hbm4b:s5+s10], $0x2780, s11, s10, $0x38;
	[tilespmem:$0x9E00] =	vst v63  }
0x16: {  	_ =	swait.ge [sflag:s9], $0x2780  }
0x17: {  	[sflag:s9] =	ssyncset.done $0x0  }
0x18: {  	s15 =	simm.s32 $0x0;
	[sflag:s9] =	ssyncadd.s32 $0xFFFFD880  }
.LBB2_2:
0x19: {  	p0 =	sne.s32 s15, $0x9DC0  }
.Ltmp0:
0x1a: {  	_ = 	snop;
	(pc) =	sbr.rel @p0 .LBB2_2-.Ltmp0, $3  }
0x1b: {  	_ =	sdelay $0x1  }
0x1c: {  	s16 =	sshra.s32 s15, $0x2  }
0x1d: {  	s15 =	sadd.s32 $0x40, s15;
	[tilespmem:s16+$0x7680] =	vst v0  }
0x1e: {  	s16 =	simm.s32 $0x0;
	s15 =	simm.s32 $0x40  }
.LBB2_4:
0x1f: {  	p0 =	sne.s32 s15, $0x9DC0;
	v1 =	vld [tilespmem:s16+$0x0];
	_ =	sdelay $0x5  }
0x20: {  	v2 =	vld [tilespmem:s16+$0x2780];
	_ =	sdelay $0x1  }
0x21: {  	v1 =	vld.idx.msk [tilespmem:v1+s8+$0x0], $0xffff;
	_ =	sdelay $0x1  }
.Ltmp1:
0x22: {  	(pc) =	sbr.rel @p0 .LBB2_4-.Ltmp1, $2  }
0x23: {  	_ =	sdelay $0x2  }
0x24: {  	s16 =	sshra.s32 s15, $0x2;
	s15 =	sadd.s32 $0x40, s15;
	[tilespmem:v2+s13+$0x0] =	vst.idx.add.f32.msk $0xffff, v1  }
0x25: {  	v1 =	vld [tilespmem:s16+$0x0];
	_ =	sdelay $0x4  }
0x26: {  	v2 =	vld [tilespmem:s16+$0x2780];
	_ =	sdelay $0x2  }
0x27: {  	v1 =	vld.idx.msk [tilespmem:v1+s8+$0x0], $0xffff;
	_ =	sdelay $0x2  }
0x28: {  	s14 =	sadd.s32 $0x1, s14  }
0x29: {  	p0 =	sne.s32 s14, s7  }
.Ltmp2:
0x2a: {  	[tilespmem:v2+s13+$0x0] =	vst.idx.add.f32.msk $0xffff, v1;
	(pc) =	sbr.rel @p0 .LBB2_1-.Ltmp2, $4  }
0x2b: {  	[hbm4b:s6+s10] =	stream.strided.scatter [tilespmem:s13], [sflag:$0x1], $0x2780, s11, s10, $0x38;
	[tilespmem:$0x9E00] =	vst v63  }
0x2c: {  	_ =	swait.ge [sflag:s9], $0x2780  }
0x2d: {  	[sflag:s9] =	ssyncset.done $0x0  }
0x2e: {  	[sflag:s9] =	ssyncadd.s32 $0xFFFFD880  }
0x2f: {  	_ =	sfence.sel $0x180000  }
0x30: {  	[bflag:$0x0] =	sbarrier.arrive $0xFFFF  }
0x31: {  	p0 =	sne.s32 s0, $0x0;
	_ =	strace $0x9000004D  }
0x32: {  	s0 =	sadd.s32 @!p0 $0x100000, s1;
	[bflag:$0x2] =	sbarrier.arrive $0xFFFF  }
0x33: {  	[sflag:s0] =	ssyncadd.tile.s32 @!p0 $0x1;
	_ =	shalt  }
.Lfunc_end2:
_tile_overlayer_lowered:
.L_overlay_start_2:
0x34: {  	(tag) =	ssettag $0x2  }
0x35: {  	s0 =	rddreg [dreg:$0x0];
	s2 =	stileid.u32  }
0x36: {  	s1 =	rddreg [dreg:$0x1];
	p0 =	sne.s32 s2, $0x0  }
0x37: {  	s3 =	rddreg [dreg:$0x2];
	[bflag:$0x3] =	sbarrier.arrive $0xFFFF;
	s2 =	simm.s32 @!p0 $0x1C01  }
0x38: {  	[timem:s3], [sflag:s2] =	dma.local @!p0 [hbm:s0], s1  }
0x39: {  	s0 =	simm.s32 @!p0 $0x1  }
0x3a: {  	_ =	swait.ge @!p0 [sflag:s0], s1  }
0x3b: {  	s1 =	ssub.s32 @!p0 $0x0, s1;
	[sflag:s0] =	ssyncset.done @!p0 $0x0  }
0x3c: {  	[sflag:s0] =	ssyncadd.s32 @!p0 s1  }
0x3d: {  	[bflag:$0x3] =	sbarrier.arrive $0xFFFF  }
0x3e: {  	_ =	shalt  }

// kernel: kernel.8.cloned.1.call-start
scs
__scs_entry_jumppad:
0x0: {  	(pc) =	sbr.rel $0x88, $3  }
0x1: {  	(tag) =	ssettag $0x0;
	lr =	simm.s32 $0x1  }
0x2: {  	[smem:$0x3F9B] =	sst lr;
	_ =	strace $0xD0000000  }
0x3: {  	_ = 	snop  }
0x4: {  	_ = 	snop  }
0x5: {  	_ = 	snop  }
0x6: {  	_ = 	snop  }
0x7: {  	_ = 	snop  }
__scs_overlays_trampoline_lowered:
0x8: {  	[smem:$0x3FAA] =	sst s0  }
0x9: {  	[smem:$0x3FAB] =	sst s1  }
0xa: {  	[smem:$0x3FAC] =	sst s2  }
0xb: {  	[smem:$0x3FAD] =	sst s3  }
0xc: {  	[smem:$0x3FAE] =	sst s4  }
0xd: {  	[smem:$0x3FAF] =	sst s5  }
0xe: {  	[smem:$0x3FB0] =	sst s6  }
0xf: {  	[smem:$0x3FB1] =	sst s7  }
0x10: {  	[smem:$0x3FB2] =	sst s8  }
0x11: {  	[smem:$0x3FB3] =	sst s9;
	s0 =	simm.s32 @!p0 $0x0  }
0x12: {  	s1 =	sld [smem:$0x3F99];
	s0 =	simm.s32 @p0 $0x1  }
0x13: {  	[smem:$0x3FB4] =	sst s0;
	s0 =	simm.s32 @!p1 $0x0  }
0x14: {  	s2 =	sld [smem:$0x3F98];
	s0 =	simm.s32 @p1 $0x1  }
0x15: {  	[smem:$0x3FB5] =	sst s0;
	s0 =	simm.s32 @!p2 $0x0  }
0x16: {  	s3 =	sld [smem:$0x3FDB];
	s0 =	simm.s32 @p2 $0x1  }
0x17: {  	s4 =	simm.s32 $0x1BF5;
	[smem:$0x3FB7] =	sst s0  }
0x18: {  	s0 =	sld [smem:$0x3F9A];
	_ =	swait.ge [sflag:s4], $0x0  }
0x19: {  	s7 =	sld [smem:$0x3F9B]  }
0x1a: {  	s8 =	sadd.s32 $0xFFFFE003, lr  }
0x1b: {  	s9 =	sadd.s32 $0xFFFFFEF7, lr;
	s5 =	simm.s32 $0xFFFFFFFF;
	p2 =	slt.u32 s8, $0xFFFFF086  }
0x1c: {  	p1 =	slt.u32 s9, $0xF7A;
	s5 =	simm.s32 @!p2 $0x0  }
0x1d: {  	s5 =	simm.s32 @p1 $0x1;
	p0 =	seq.s32 s7, s2  }
0x1e: {  	s7 =	smul.u32 @!p0 $0xF7A, s2;
	p2 =	seq.s32 @!p0 s5, $0x0  }
0x1f: {  	s9 =	smul.u32 $0xF7A, s1;
	s8 =	simm.s32 @!p0 $0x1BF5;
	p2 =	por !p2, p0  }
0x20: {  	[sflag:s8] =	ssyncset.s32 @!p0 $0xFFFFF086;
	s6 =	sadd.s32 @!p0 s3, s7;
	s7 =	simm.s32 @!p0 $0x108  }
0x21: {  	s3 =	sadd.s32 s3, s9;
	s6 =	sadd.s32 @!p0 $0x88, s6;
	s7 =	simm.s32 @p2 $0x1082  }
0x22: {  	[simem:s7], [sflag:s8] =	dma.local @!p0 [hbm:s6], $0xF7A  }
0x23: {  	s9 =	sor.u32 $0xD0000000, s2;
	s6 =	simm.s32 $0x108;
	_ =	swait.ge @!p0 [sflag:s8], $0x0  }
0x24: {  	s3 =	sadd.s32 $0x88, s3;
	s6 =	simm.s32 @!p1 $0x1082;
	[sflag:s4] =	ssyncset.s32 $0xFFFFF086  }
0x25: {  	[simem:s6], [sflag:s4] =	dma.local [hbm:s3], $0xF7A  }
0x26: {  	[smem:$0x3F9B] =	sst s1;
	(tag) =	ssettag s2;
	_ =	strace s9  }
0x27: {  	s1 =	sld [smem:$0x3FAB]  }
0x28: {  	s2 =	sld [smem:$0x3FAC]  }
0x29: {  	s4 =	sld [smem:$0x3FAE]  }
0x2a: {  	p0 =	seq.s32 s5, $0x0;
	s5 =	sld [smem:$0x3FAF]  }
0x2b: {  	s6 =	sld [smem:$0x3FB0]  }
0x2c: {  	s7 =	sld [smem:$0x3FB1]  }
0x2d: {  	s3 =	simm.s32 $0x108;
	s8 =	sld [smem:$0x3FB2]  }
0x2e: {  	s3 =	simm.s32 @!p0 $0x1082;
	s9 =	sld [smem:$0x3FB3]  }
0x2f: {  	lr =	sadd.s32 s0, s3;
	s0 =	sld [smem:$0x3FAA]  }
0x30: {  	s3 =	sld [smem:$0x3FAD]  }
0x31: {  	[smem:$0x3FB6] =	sst s10  }
0x32: {  	s10 =	sld [smem:$0x3FB4];
	_ =	sdelay $0x3  }
0x33: {  	p0 =	seq.s32 s10, $0x1;
	s10 =	sld [smem:$0x3FB6];
	_ =	sdelay $0x3  }
0x34: {  	[smem:$0x3FB6] =	sst s10  }
0x35: {  	s10 =	sld [smem:$0x3FB5];
	_ =	sdelay $0x3  }
0x36: {  	p1 =	seq.s32 s10, $0x1;
	s10 =	sld [smem:$0x3FB6];
	_ =	sdelay $0x3  }
0x37: {  	[smem:$0x3FB6] =	sst s10  }
0x38: {  	s10 =	sld [smem:$0x3FB7]  }
0x39: {  	_ = 	snop;
	(pc) =	sbr.ind lr, $3  }
0x3a: {  	_ = 	snop  }
0x3b: {  	_ = 	snop  }
0x3c: {  	p2 =	seq.s32 s10, $0x1;
	s10 =	sld [smem:$0x3FB6]  }
0x3d: {  	_ =	shalt  }
0x3e: {  	_ =	shalt  }
0x3f: {  	_ =	shalt  }
0x40: {  	_ =	shalt  }
0x41: {  	_ =	shalt  }
0x42: {  	_ =	shalt  }
0x43: {  	_ =	shalt  }
0x44: {  	_ =	shalt  }
0x45: {  	_ =	shalt  }
0x46: {  	_ =	shalt  }
0x47: {  	_ =	shalt  }
0x48: {  	_ =	shalt  }
0x49: {  	_ =	shalt  }
0x4a: {  	_ =	shalt  }
0x4b: {  	_ =	shalt  }
0x4c: {  	_ =	shalt  }
0x4d: {  	_ =	shalt  }
0x4e: {  	_ =	shalt  }
0x4f: {  	_ =	shalt  }
0x50: {  	_ =	shalt  }
0x51: {  	_ =	shalt  }
0x52: {  	_ =	shalt  }
0x53: {  	_ =	shalt  }
0x54: {  	_ =	shalt  }
0x55: {  	_ =	shalt  }
0x56: {  	_ =	shalt  }
0x57: {  	_ =	shalt  }
0x58: {  	_ =	shalt  }
0x59: {  	_ =	shalt  }
0x5a: {  	_ =	shalt  }
0x5b: {  	_ =	shalt  }
0x5c: {  	_ =	shalt  }
0x5d: {  	_ =	shalt  }
0x5e: {  	_ =	shalt  }
0x5f: {  	_ =	shalt  }
0x60: {  	_ =	shalt  }
0x61: {  	_ =	shalt  }
0x62: {  	_ =	shalt  }
0x63: {  	_ =	shalt  }
0x64: {  	_ =	shalt  }
0x65: {  	_ =	shalt  }
0x66: {  	_ =	shalt  }
0x67: {  	_ =	shalt  }
0x68: {  	_ =	shalt  }
0x69: {  	_ =	shalt  }
0x6a: {  	_ =	shalt  }
0x6b: {  	_ =	shalt  }
0x6c: {  	_ =	shalt  }
0x6d: {  	_ =	shalt  }
0x6e: {  	_ =	shalt  }
0x6f: {  	_ =	shalt  }
0x70: {  	_ =	shalt  }
0x71: {  	_ =	shalt  }
0x72: {  	_ =	shalt  }
0x73: {  	_ =	shalt  }
0x74: {  	_ =	shalt  }
0x75: {  	_ =	shalt  }
0x76: {  	_ =	shalt  }
0x77: {  	_ =	shalt  }
0x78: {  	_ =	shalt  }
0x79: {  	_ =	shalt  }
0x7a: {  	_ =	shalt  }
0x7b: {  	_ =	shalt  }
0x7c: {  	_ =	shalt  }
0x7d: {  	_ =	shalt  }
0x7e: {  	_ =	shalt  }
0x7f: {  	_ =	shalt  }
0x80: {  	_ =	shalt  }
0x81: {  	_ =	shalt  }
0x82: {  	_ =	shalt  }
0x83: {  	_ =	shalt  }
0x84: {  	_ =	shalt  }
0x85: {  	_ =	shalt  }
0x86: {  	_ =	shalt  }
0x87: {  	_ =	shalt  }
.Lfunc_end0:
.L_simem_size_0:
called_computation_lowered:
.L_overlay_start_0:
0x88: {  	s2 =	sld [smem:$0x3FD9]  }
0x89: {  	s3 =	sld [smem:$0x3FFE];
	_ =	sdelay $0x1  }
0x8a: {  	s1 =	srdreg.scid  }
0x8b: {  	s0 =	sand.u32 $0x1, s1  }
0x8c: {  	s16 =	sshll.u32 s0, $0xA;
	s2 =	sadd.s32 s3, s2  }
0x8d: {  	s2 =	sadd.s32 s2, s16  }
0x8e: {  	[smem:$0x3FC2] =	sst s2  }
0x8f: {  	_ = 	snop  }
0x90: {  	(tm) =	ssettm $0x1  }
0x91: {  	s17 =	sld [smem:$0x3FFB];
	_ =	sdelay $0x3  }
0x92: {  	_ =	strace s17  }
0x93: {  	s2 =	sld [smem:$0x3FFC];
	_ =	sdelay $0x3  }
0x94: {  	_ =	strace s2  }
0x95: {  	s2 =	sld [smem:$0x3FFD];
	_ =	sdelay $0x3  }
0x96: {  	_ =	strace s2  }
0x97: {  	_ =	strace $0x8FFFFFFF  }
0x98: {  	s18 =	sld [smem:$0x3FDB];
	_ =	sdelay $0x1  }
0x99: {  	s19 =	simm.s32 $_scs_section_size  }
0x9a: {  	s4 =	simm.s32 $_size__tile_overlayer_lowered;
	s5 =	simm.s32 $_tile_overlayer_lowered  }
0x9b: {  	s22 =	simm.s32 $0x1BFF;
	s21 =	sshll.u32 s5, $0x1;
	s2 =	sadd.s32 s19, s18  }
0x9c: {  	s6 =	simm.s32 $0x0;
	s20 =	sshll.u32 s4, $0x1;
	s4 =	sadd.s32 s21, s2  }
0x9d: {  	[timem:s6], [sflag:s22] =	dma.local [hbm:s4], s20  }
0x9e: {  	_ =	swait.ge [sflag:s22], s20  }
0x9f: {  	s3 =	ssub.s32 $0x0, s20;
	[sflag:s22] =	ssyncset.done $0x0  }
0xa0: {  	[sflag:s22] =	ssyncadd.s32 s3;
	_ =	sdelay $0x1  }
0xa1: {  	s23 =	simm.s32 $0x1B8B  }
0xa2: {  	_ =	swait.ge [sflag:s23], $0x1  }
0xa3: {  	[sflag:s23] =	ssyncset.done $0x0  }
0xa4: {  	s25 =	simm.s32 $0x1B8E;
	s24 =	sld [smem:$0x3FFE];
	[sflag:s23] =	ssyncadd.s32 $0xFFFFFFFF  }
0xa5: {  	s26 =	simm.s32 $execute0_lowered;
	[smem:$0x3FD2] =	sst s25  }
0xa6: {  	s4 =	sshll.u32 s26, $0x1;
	_ =	strace $0x80000046;
	[dreg:$0x1] =	wrdreg $0xFFFFFFFF  }
0xa7: {  	s28 =	simm.s32 $_size_execute0_lowered;
	s2 =	sadd.s32 s2, s4;
	[dreg:$0x0] =	wrdreg $0x0  }
0xa8: {  	s4 =	sshll.u32 s28, $0x1;
	[dreg:$0x2] =	wrdreg s2  }
0xa9: {  	[dreg:$0x3] =	wrdreg s4  }
0xaa: {  	[dreg:$0x4] =	wrdreg $0xC0  }
0xab: {  	_ =	task [dreg:s6], $0x5FFFF  }
0xac: {  	[dreg:$0x1] =	wrdreg $0xFFFFFFFF  }
0xad: {  	[dreg:$0x0] =	wrdreg $0x60  }
0xae: {  	[dreg:$0x2] =	wrdreg s24  }
0xaf: {  	[dreg:$0x3] =	wrdreg $0x9  }
0xb0: {  	_ =	task.clear_ibuf [dreg:s6], $0x4FFFF;
	_ =	strace $0x90000046  }
0xb1: {  	s29 =	simm.s32 $0x9;
	_ =	strace $0x80000048  }
0xb2: {  	_ =	swait.ge [sflag:s29], $0x1  }
0xb3: {  	[sflag:s29] =	ssyncadd.s32 $0xFFFFFFFF  }
0xb4: {  	_ =	strace $0x90000048  }
0xb5: {  	_ =	sfence  }
0xb6: {  	s30 =	sld [smem:$0x0];
	_ =	sdelay $0x2  }
0xb7: {  	s31 =	sshll.u32 s1, $0xD;
	s1 =	sshrl.u32 s1, $0x2  }
0xb8: {  	s3 =	sand.u32 $0x4000, s31;
	s1 =	sadd.s32 s1, s30  }
0xb9: {  	s0 =	sor.u32 s3, s0;
	s1 =	sshll.u32 s1, $0x11  }
0xba: {  	s0 =	sor.u32 s1, s0  }
0xbb: {  	s0 =	sadd.s32 $0x8F2B, s0  }
0xbc: {  	[sflag:s0] =	ssyncadd.remote.s32 $0x1  }
0xbd: {  	_ =	sfence.sel $0xFFFF  }
0xbe: {  	[dreg:$0x0] =	wrdreg $0xFFFFFFFF;
	(pc) =	sbr.abs _section_cstart, $3  }
0xbf: {  	[dreg:$0x1] =	wrdreg $0xFFFFFFFF  }
0xc0: {  	_ =	task.clear_ibuf [dreg:s6], $0x2FFFF;
	_ =	strace $0x9FFFFFFF  }
0xc1: {  	(tm) =	ssettm $0x7FFFFFFF  }
tec
execute0_lowered:
.L_overlay_start_1:
0x0: {  	(tag) =	ssettag $0x1  }
0x1: {  	s0 =	srdreg.scid  }
0x2: {  	s3 =	sand.u32 $0x1, s0  }
0x3: {  	s0 =	stileid.u32;
	s1 =	sshll.u32 s3, $0x4  }
0x4: {  	s5 =	rddreg [dreg:$0x0];
	s2 =	simm.s32 $0x0;
	s1 =	sor.u32 s0, s1  }
0x5: {  	s7 =	simm.s32 $0x400;
	s8 =	simm.s32 $0x1;
	s1 =	sshrl.u32 s1, $0x3  }
0x6: {  	s9 =	simm.s32 $0x2780;
	s30 =	sshll.u32 s0, $0x7;
	s4 =	smul.u32 $0x13C00, s1  }
0x7: {  	s10 =	simm.s32 $0x0;
	s3 =	ssub.s32 $0x2, s3;
	s6 =	sand.u32 $0x380, s30  }
0x8: {  	[smem:$0x7FF] =	sst s2;
	s31 =	sshrl.u32 s3, $0x1;
	s4 =	sor.u32 s6, s4  }
0x9: {  	s1 =	rddreg [dreg:$0x1];
	_ =	strace $0x80000047;
	s4 =	sshrl.u32 s4, $0x3  }
0xa: {  	s6 =	simm.s32 $0x80;
	s4 =	sadd.s32 s4, s5;
	s5 =	ssub.s32 s3, s31  }
0xb: {  	v0 =	vimm.f32 $0.0e+00;
	v1 =	vimm.f32 $1.000000000e+00;
	s3 =	sadd.s32 $0x1600, s4;
	s4 =	sadd.s32 $0xB400, s4;
	s5 =	smax.u32 s5, $0x1  }
.LBB2_1:
0xc: {  	[tilespmem:s2], [sflag:$0x1] =	stream.strided.gather [hbm4b:s3+s6], $0x2780, s7, s6, $0x38;
	[tilespmem:$0x4F00] =	vst v63  }
0xd: {  	_ =	swait.ge [sflag:s8], $0x2780  }
0xe: {  	[sflag:s8] =	ssyncset.done $0x0  }
0xf: {  	s11 =	simm.s32 $0x0;
	[sflag:s8] =	ssyncadd.s32 $0xFFFFD880  }
.LBB2_2:
0x10: {  	p0 =	sne.s32 s11, $0x9DC0  }
.Ltmp0:
0x11: {  	_ = 	snop;
	(pc) =	sbr.rel @p0 .LBB2_2-.Ltmp0, $3  }
0x12: {  	_ =	sdelay $0x1  }
0x13: {  	s12 =	sshra.s32 s11, $0x2  }
0x14: {  	s11 =	sadd.s32 $0x40, s11;
	[tilespmem:s12+$0x2780] =	vst v0  }
0x15: {  	s12 =	simm.s32 $0x0;
	s11 =	simm.s32 $0x40  }
.LBB2_4:
0x16: {  	p0 =	sne.s32 s11, $0x9DC0;
	v2 =	vld [tilespmem:s12+$0x0];
	_ =	sdelay $0x3  }
.Ltmp1:
0x17: {  	(pc) =	sbr.rel @p0 .LBB2_4-.Ltmp1, $2  }
0x18: {  	_ =	sdelay $0x2  }
0x19: {  	s12 =	sshra.s32 s11, $0x2;
	s11 =	sadd.s32 $0x40, s11;
	[tilespmem:v2+s9+$0x0] =	vst.idx.add.f32.msk $0xffff, v1  }
0x1a: {  	v2 =	vld [tilespmem:s12+$0x0];
	_ =	sdelay $0x5  }
0x1b: {  	s10 =	sadd.s32 $0x1, s10  }
0x1c: {  	p0 =	sne.s32 s10, s5  }
.Ltmp2:
0x1d: {  	[tilespmem:v2+s9+$0x0] =	vst.idx.add.f32.msk $0xffff, v1;
	(pc) =	sbr.rel @p0 .LBB2_1-.Ltmp2, $4  }
0x1e: {  	[hbm4b:s4+s6] =	stream.strided.scatter [tilespmem:s9], [sflag:$0x1], $0x2780, s7, s6, $0x38;
	[tilespmem:$0x4F00] =	vst v63  }
0x1f: {  	_ =	swait.ge [sflag:s8], $0x2780  }
0x20: {  	[sflag:s8] =	ssyncset.done $0x0  }
0x21: {  	[sflag:s8] =	ssyncadd.s32 $0xFFFFD880  }
0x22: {  	_ =	sfence.sel $0x180000  }
0x23: {  	[bflag:$0x0] =	sbarrier.arrive $0xFFFF  }
0x24: {  	p0 =	sne.s32 s0, $0x0;
	_ =	strace $0x90000047  }
0x25: {  	s0 =	sadd.s32 @!p0 $0x100000, s1;
	[bflag:$0x2] =	sbarrier.arrive $0xFFFF  }
0x26: {  	[sflag:s0] =	ssyncadd.tile.s32 @!p0 $0x1;
	_ =	shalt  }
.Lfunc_end2:
_tile_overlayer_lowered:
.L_overlay_start_2:
0x27: {  	(tag) =	ssettag $0x2  }
0x28: {  	s0 =	rddreg [dreg:$0x0];
	s2 =	stileid.u32  }
0x29: {  	s1 =	rddreg [dreg:$0x1];
	p0 =	sne.s32 s2, $0x0  }
0x2a: {  	s3 =	rddreg [dreg:$0x2];
	[bflag:$0x3] =	sbarrier.arrive $0xFFFF;
	s2 =	simm.s32 @!p0 $0x1C01  }
0x2b: {  	[timem:s3], [sflag:s2] =	dma.local @!p0 [hbm:s0], s1  }
0x2c: {  	s0 =	simm.s32 @!p0 $0x1  }
0x2d: {  	_ =	swait.ge @!p0 [sflag:s0], s1  }
0x2e: {  	s1 =	ssub.s32 @!p0 $0x0, s1;
	[sflag:s0] =	ssyncset.done @!p0 $0x0  }
0x2f: {  	[sflag:s0] =	ssyncadd.s32 @!p0 s1  }
0x30: {  	[bflag:$0x3] =	sbarrier.arrive $0xFFFF  }
0x31: {  	_ =	shalt  }

</sc_bundles>
